<compile_context>
chip_gen: v7x
topology: tpu7x:2x2x1
jax: 0.10.2.dev20260603
libtpu: 0.0.44.dev20260713+nightly
codegen_flags: <defaults>
</compile_context>

<pallas_src>
import jax
import jax.numpy as jnp
from jax.experimental import pallas as pl
from jax.experimental.pallas import tpu as pltpu
from jax.experimental.pallas import tpu_sc as plsc

_ROWS = 128
_ROW_LEN = 160000
_BS = _ROWS // 2
_NUM_WORKERS = 32
_RPW = _ROWS // _NUM_WORKERS
_NBUF = 8
_CHUNK = 4000
_CPR = _ROW_LEN // _CHUNK
_ITEMS = _RPW * _CPR

_PERM = (22, 18, 6, 26, 21, 45, 60, 39, 61, 49, 38, 27, 32, 57, 10, 63,
         35, 20, 24, 56, 52, 40, 51, 42, 55, 4, 31, 14, 0, 43, 34, 3,
         50, 5, 17, 37, 28, 2, 41, 23, 58, 44, 54, 48, 46, 36, 1, 8,
         16, 33, 30, 7, 19, 15, 9, 62, 13, 11, 59, 47, 25, 53, 12, 29)
_SRC_ROWS = _PERM + tuple(range(_BS, _ROWS))


def _sc_permute_copy(src2d):
    mesh = plsc.VectorSubcoreMesh(core_axis_name="c", subcore_axis_name="s")

    @pl.kernel(
        out_type=jax.ShapeDtypeStruct((_ROWS, _ROW_LEN), jnp.float32),
        mesh=mesh,
        compiler_params=pltpu.CompilerParams(use_tc_tiling_on_sc=False),
        scratch_types=[
            pltpu.VMEM((_NBUF, _CHUNK), jnp.float32),
            pltpu.SMEM((_RPW,), jnp.int32),
        ]
        + [pltpu.SemaphoreType.DMA] * (2 * _NBUF),
    )
    def k(src_hbm, out_hbm, bufs, srows, *sems):
        in_sems = sems[:_NBUF]
        out_sems = sems[_NBUF:]
        wid = jax.lax.axis_index("s") * 2 + jax.lax.axis_index("c")
        dst_base = wid * _RPW

        for w in range(_NUM_WORKERS):

            @pl.when(wid == w)
            def _(w=w):
                for i in range(_RPW):
                    srows[i] = _SRC_ROWS[w * _RPW + i]

        def in_copy(b, it):
            r = jax.lax.div(it, _CPR)
            off = jax.lax.mul(jax.lax.rem(it, _CPR), _CHUNK)
            return pltpu.make_async_copy(
                src_hbm.at[srows[r], pl.ds(off, _CHUNK)],
                bufs.at[b],
                in_sems[b],
            )

        def out_copy(b, it):
            r = jax.lax.div(it, _CPR)
            off = jax.lax.mul(jax.lax.rem(it, _CPR), _CHUNK)
            return pltpu.make_async_copy(
                bufs.at[b],
                out_hbm.at[dst_base + r, pl.ds(off, _CHUNK)],
                out_sems[b],
            )

        for b in range(_NBUF):
            in_copy(b, jnp.int32(b)).start()

        @pl.loop(0, _ITEMS, step=_NBUF)
        def _(t):
            for b in range(_NBUF):
                it = t + b
                in_copy(b, it).wait()
                out_copy(b, it).start()
            for b in range(_NBUF):
                it = t + b
                nxt = it + _NBUF

                @pl.when(nxt < _ITEMS)
                def _(b=b, it=it, nxt=nxt):
                    out_copy(b, it).wait()
                    in_copy(b, nxt).start()

        for b in range(_NBUF):
            out_copy(b, jnp.int32(_ITEMS - _NBUF + b)).wait()

    return k(src2d)


def kernel(sources):
    src2d = sources.reshape(_ROWS, _ROW_LEN)
    out = _sc_permute_copy(src2d)
    return out.reshape(2, _BS, 1, _ROW_LEN)

# --- scband reference (transcript-rebuilt; emitter-appended) ---
"""Pipeline reference for scband-remix-87024627351659 (READ-ONLY COPY).

The authoritative reference and input builder live on the scoring server;
editing this copy changes nothing except your own understanding.
"""

import jax, jax.numpy as jnp
import numpy as np


def setup_inputs(seed: int = 0) -> dict:
    key = jax.random.key(seed)
    sources = jax.random.normal(key, (2, 64, 1, 160000), dtype=jnp.float32)
    return {"sources": sources}


def reference(sources):
    # sources: [2, bs, C, T] -> (noise, clean)
    noise = sources[0]
    clean = sources[1]
    bs = noise.shape[0]
    # torch: perm = th.argsort(th.rand(bs), dim=0) -> random permutation of batch
    perm = jnp.argsort(jax.random.uniform(jax.random.key(42), (bs,)))
    # gather noise rows by permutation, stack with clean
    return jnp.stack([noise[perm], clean])

if __name__ == "__main__":
    import jax
    _d = setup_inputs()
    print(jax.jit(kernel)(*tuple(_d.values())))

</pallas_src>

<mosaic_0001>
#map = affine_map<(d0, d1) -> (0, 0)>
module attributes {stable_mosaic.version = 14 : i64} {
  func.func @k(%arg0: i32, %arg1: i32, %arg2: memref<128x160000xf32, #tpu.memory_space<hbm>>, %arg3: memref<128x160000xf32, #tpu.memory_space<hbm>>, %arg4: memref<8x4000xf32, #tpu.memory_space<vmem>>, %arg5: memref<4xi32, #tpu.memory_space<smem>>, %arg6: memref<!tpu.dma_semaphore, #tpu.memory_space<semaphore_mem>>, %arg7: memref<!tpu.dma_semaphore, #tpu.memory_space<semaphore_mem>>, %arg8: memref<!tpu.dma_semaphore, #tpu.memory_space<semaphore_mem>>, %arg9: memref<!tpu.dma_semaphore, #tpu.memory_space<semaphore_mem>>, %arg10: memref<!tpu.dma_semaphore, #tpu.memory_space<semaphore_mem>>, %arg11: memref<!tpu.dma_semaphore, #tpu.memory_space<semaphore_mem>>, %arg12: memref<!tpu.dma_semaphore, #tpu.memory_space<semaphore_mem>>, %arg13: memref<!tpu.dma_semaphore, #tpu.memory_space<semaphore_mem>>, %arg14: memref<!tpu.dma_semaphore, #tpu.memory_space<semaphore_mem>>, %arg15: memref<!tpu.dma_semaphore, #tpu.memory_space<semaphore_mem>>, %arg16: memref<!tpu.dma_semaphore, #tpu.memory_space<semaphore_mem>>, %arg17: memref<!tpu.dma_semaphore, #tpu.memory_space<semaphore_mem>>, %arg18: memref<!tpu.dma_semaphore, #tpu.memory_space<semaphore_mem>>, %arg19: memref<!tpu.dma_semaphore, #tpu.memory_space<semaphore_mem>>, %arg20: memref<!tpu.dma_semaphore, #tpu.memory_space<semaphore_mem>>, %arg21: memref<!tpu.dma_semaphore, #tpu.memory_space<semaphore_mem>>) attributes {dimension_semantics = [#tpu.dimension_semantics<core_parallel>, #tpu.dimension_semantics<subcore_parallel>], iteration_bounds = array<i64: 2, 16>, scalar_prefetch = 0 : i64, scratch_operands = 18 : i64, tpu.core_type = #tpu.core_type<sc_vector_subcore>, window_params = [{transform_indices = #map}, {transform_indices = #map}]} {
    %mul3A = arith.constant 2 : i32
    %mul3A_0 = arith.muli %arg1, %mul3A : i32
    %add3A = arith.addi %mul3A_0, %arg0 : i32
    %mul3A_1 = arith.constant 4 : i32
    %mul3A_2 = arith.muli %add3A, %mul3A_1 : i32
    %eq3A = arith.constant 0 : i32
    %eq3A_3 = arith.cmpi eq, %add3A, %eq3A : i32
    %convert_element_type3A = arith.extui %eq3A_3 : i1 to i32
    %cond3A = arith.constant 0 : i32
    %cond3A_4 = arith.cmpi ne, %convert_element_type3A, %cond3A : i32
    scf.if %cond3A_4 {
      %swap3A = arith.constant 22 : i32
      %swap3A_487 = arith.constant 0 : i32
      %swap3A_488 = arith.index_cast %swap3A_487 : i32 to index
      %swap3A_489 = memref.load %arg5[%swap3A_488] : memref<4xi32, #tpu.memory_space<smem>>
      memref.store %swap3A, %arg5[%swap3A_488] : memref<4xi32, #tpu.memory_space<smem>>
      %swap3A_490 = arith.constant 18 : i32
      %swap3A_491 = arith.constant 1 : i32
      %swap3A_492 = arith.index_cast %swap3A_491 : i32 to index
      %swap3A_493 = memref.load %arg5[%swap3A_492] : memref<4xi32, #tpu.memory_space<smem>>
      memref.store %swap3A_490, %arg5[%swap3A_492] : memref<4xi32, #tpu.memory_space<smem>>
      %swap3A_494 = arith.constant 6 : i32
      %swap3A_495 = arith.constant 2 : i32
      %swap3A_496 = arith.index_cast %swap3A_495 : i32 to index
      %swap3A_497 = memref.load %arg5[%swap3A_496] : memref<4xi32, #tpu.memory_space<smem>>
      memref.store %swap3A_494, %arg5[%swap3A_496] : memref<4xi32, #tpu.memory_space<smem>>
      %swap3A_498 = arith.constant 26 : i32
      %swap3A_499 = arith.constant 3 : i32
      %swap3A_500 = arith.index_cast %swap3A_499 : i32 to index
      %swap3A_501 = memref.load %arg5[%swap3A_500] : memref<4xi32, #tpu.memory_space<smem>>
      memref.store %swap3A_498, %arg5[%swap3A_500] : memref<4xi32, #tpu.memory_space<smem>>
    } else {
    }
    %eq3A_5 = arith.constant 1 : i32
    %eq3A_6 = arith.cmpi eq, %add3A, %eq3A_5 : i32
    %convert_element_type3A_7 = arith.extui %eq3A_6 : i1 to i32
    %cond3A_8 = arith.constant 0 : i32
    %cond3A_9 = arith.cmpi ne, %convert_element_type3A_7, %cond3A_8 : i32
    scf.if %cond3A_9 {
      %swap3A = arith.constant 21 : i32
      %swap3A_487 = arith.constant 0 : i32
      %swap3A_488 = arith.index_cast %swap3A_487 : i32 to index
      %swap3A_489 = memref.load %arg5[%swap3A_488] : memref<4xi32, #tpu.memory_space<smem>>
      memref.store %swap3A, %arg5[%swap3A_488] : memref<4xi32, #tpu.memory_space<smem>>
      %swap3A_490 = arith.constant 45 : i32
      %swap3A_491 = arith.constant 1 : i32
      %swap3A_492 = arith.index_cast %swap3A_491 : i32 to index
      %swap3A_493 = memref.load %arg5[%swap3A_492] : memref<4xi32, #tpu.memory_space<smem>>
      memref.store %swap3A_490, %arg5[%swap3A_492] : memref<4xi32, #tpu.memory_space<smem>>
      %swap3A_494 = arith.constant 60 : i32
      %swap3A_495 = arith.constant 2 : i32
      %swap3A_496 = arith.index_cast %swap3A_495 : i32 to index
      %swap3A_497 = memref.load %arg5[%swap3A_496] : memref<4xi32, #tpu.memory_space<smem>>
      memref.store %swap3A_494, %arg5[%swap3A_496] : memref<4xi32, #tpu.memory_space<smem>>
      %swap3A_498 = arith.constant 39 : i32
      %swap3A_499 = arith.constant 3 : i32
      %swap3A_500 = arith.index_cast %swap3A_499 : i32 to index
      %swap3A_501 = memref.load %arg5[%swap3A_500] : memref<4xi32, #tpu.memory_space<smem>>
      memref.store %swap3A_498, %arg5[%swap3A_500] : memref<4xi32, #tpu.memory_space<smem>>
    } else {
    }
    %eq3A_10 = arith.constant 2 : i32
    %eq3A_11 = arith.cmpi eq, %add3A, %eq3A_10 : i32
    %convert_element_type3A_12 = arith.extui %eq3A_11 : i1 to i32
    %cond3A_13 = arith.constant 0 : i32
    %cond3A_14 = arith.cmpi ne, %convert_element_type3A_12, %cond3A_13 : i32
    scf.if %cond3A_14 {
      %swap3A = arith.constant 61 : i32
      %swap3A_487 = arith.constant 0 : i32
      %swap3A_488 = arith.index_cast %swap3A_487 : i32 to index
      %swap3A_489 = memref.load %arg5[%swap3A_488] : memref<4xi32, #tpu.memory_space<smem>>
      memref.store %swap3A, %arg5[%swap3A_488] : memref<4xi32, #tpu.memory_space<smem>>
      %swap3A_490 = arith.constant 49 : i32
      %swap3A_491 = arith.constant 1 : i32
      %swap3A_492 = arith.index_cast %swap3A_491 : i32 to index
      %swap3A_493 = memref.load %arg5[%swap3A_492] : memref<4xi32, #tpu.memory_space<smem>>
      memref.store %swap3A_490, %arg5[%swap3A_492] : memref<4xi32, #tpu.memory_space<smem>>
      %swap3A_494 = arith.constant 38 : i32
      %swap3A_495 = arith.constant 2 : i32
      %swap3A_496 = arith.index_cast %swap3A_495 : i32 to index
      %swap3A_497 = memref.load %arg5[%swap3A_496] : memref<4xi32, #tpu.memory_space<smem>>
      memref.store %swap3A_494, %arg5[%swap3A_496] : memref<4xi32, #tpu.memory_space<smem>>
      %swap3A_498 = arith.constant 27 : i32
      %swap3A_499 = arith.constant 3 : i32
      %swap3A_500 = arith.index_cast %swap3A_499 : i32 to index
      %swap3A_501 = memref.load %arg5[%swap3A_500] : memref<4xi32, #tpu.memory_space<smem>>
      memref.store %swap3A_498, %arg5[%swap3A_500] : memref<4xi32, #tpu.memory_space<smem>>
    } else {
    }
    %eq3A_15 = arith.constant 3 : i32
    %eq3A_16 = arith.cmpi eq, %add3A, %eq3A_15 : i32
    %convert_element_type3A_17 = arith.extui %eq3A_16 : i1 to i32
    %cond3A_18 = arith.constant 0 : i32
    %cond3A_19 = arith.cmpi ne, %convert_element_type3A_17, %cond3A_18 : i32
    scf.if %cond3A_19 {
      %swap3A = arith.constant 32 : i32
      %swap3A_487 = arith.constant 0 : i32
      %swap3A_488 = arith.index_cast %swap3A_487 : i32 to index
      %swap3A_489 = memref.load %arg5[%swap3A_488] : memref<4xi32, #tpu.memory_space<smem>>
      memref.store %swap3A, %arg5[%swap3A_488] : memref<4xi32, #tpu.memory_space<smem>>
      %swap3A_490 = arith.constant 57 : i32
      %swap3A_491 = arith.constant 1 : i32
      %swap3A_492 = arith.index_cast %swap3A_491 : i32 to index
      %swap3A_493 = memref.load %arg5[%swap3A_492] : memref<4xi32, #tpu.memory_space<smem>>
      memref.store %swap3A_490, %arg5[%swap3A_492] : memref<4xi32, #tpu.memory_space<smem>>
      %swap3A_494 = arith.constant 10 : i32
      %swap3A_495 = arith.constant 2 : i32
      %swap3A_496 = arith.index_cast %swap3A_495 : i32 to index
      %swap3A_497 = memref.load %arg5[%swap3A_496] : memref<4xi32, #tpu.memory_space<smem>>
      memref.store %swap3A_494, %arg5[%swap3A_496] : memref<4xi32, #tpu.memory_space<smem>>
      %swap3A_498 = arith.constant 63 : i32
      %swap3A_499 = arith.constant 3 : i32
      %swap3A_500 = arith.index_cast %swap3A_499 : i32 to index
      %swap3A_501 = memref.load %arg5[%swap3A_500] : memref<4xi32, #tpu.memory_space<smem>>
      memref.store %swap3A_498, %arg5[%swap3A_500] : memref<4xi32, #tpu.memory_space<smem>>
    } else {
    }
    %eq3A_20 = arith.constant 4 : i32
    %eq3A_21 = arith.cmpi eq, %add3A, %eq3A_20 : i32
    %convert_element_type3A_22 = arith.extui %eq3A_21 : i1 to i32
    %cond3A_23 = arith.constant 0 : i32
    %cond3A_24 = arith.cmpi ne, %convert_element_type3A_22, %cond3A_23 : i32
    scf.if %cond3A_24 {
      %swap3A = arith.constant 35 : i32
      %swap3A_487 = arith.constant 0 : i32
      %swap3A_488 = arith.index_cast %swap3A_487 : i32 to index
      %swap3A_489 = memref.load %arg5[%swap3A_488] : memref<4xi32, #tpu.memory_space<smem>>
      memref.store %swap3A, %arg5[%swap3A_488] : memref<4xi32, #tpu.memory_space<smem>>
      %swap3A_490 = arith.constant 20 : i32
      %swap3A_491 = arith.constant 1 : i32
      %swap3A_492 = arith.index_cast %swap3A_491 : i32 to index
      %swap3A_493 = memref.load %arg5[%swap3A_492] : memref<4xi32, #tpu.memory_space<smem>>
      memref.store %swap3A_490, %arg5[%swap3A_492] : memref<4xi32, #tpu.memory_space<smem>>
      %swap3A_494 = arith.constant 24 : i32
      %swap3A_495 = arith.constant 2 : i32
      %swap3A_496 = arith.index_cast %swap3A_495 : i32 to index
      %swap3A_497 = memref.load %arg5[%swap3A_496] : memref<4xi32, #tpu.memory_space<smem>>
      memref.store %swap3A_494, %arg5[%swap3A_496] : memref<4xi32, #tpu.memory_space<smem>>
      %swap3A_498 = arith.constant 56 : i32
      %swap3A_499 = arith.constant 3 : i32
      %swap3A_500 = arith.index_cast %swap3A_499 : i32 to index
      %swap3A_501 = memref.load %arg5[%swap3A_500] : memref<4xi32, #tpu.memory_space<smem>>
      memref.store %swap3A_498, %arg5[%swap3A_500] : memref<4xi32, #tpu.memory_space<smem>>
    } else {
    }
    %eq3A_25 = arith.constant 5 : i32
    %eq3A_26 = arith.cmpi eq, %add3A, %eq3A_25 : i32
    %convert_element_type3A_27 = arith.extui %eq3A_26 : i1 to i32
    %cond3A_28 = arith.constant 0 : i32
    %cond3A_29 = arith.cmpi ne, %convert_element_type3A_27, %cond3A_28 : i32
    scf.if %cond3A_29 {
      %swap3A = arith.constant 52 : i32
      %swap3A_487 = arith.constant 0 : i32
      %swap3A_488 = arith.index_cast %swap3A_487 : i32 to index
      %swap3A_489 = memref.load %arg5[%swap3A_488] : memref<4xi32, #tpu.memory_space<smem>>
      memref.store %swap3A, %arg5[%swap3A_488] : memref<4xi32, #tpu.memory_space<smem>>
      %swap3A_490 = arith.constant 40 : i32
      %swap3A_491 = arith.constant 1 : i32
      %swap3A_492 = arith.index_cast %swap3A_491 : i32 to index
      %swap3A_493 = memref.load %arg5[%swap3A_492] : memref<4xi32, #tpu.memory_space<smem>>
      memref.store %swap3A_490, %arg5[%swap3A_492] : memref<4xi32, #tpu.memory_space<smem>>
      %swap3A_494 = arith.constant 51 : i32
      %swap3A_495 = arith.constant 2 : i32
      %swap3A_496 = arith.index_cast %swap3A_495 : i32 to index
      %swap3A_497 = memref.load %arg5[%swap3A_496] : memref<4xi32, #tpu.memory_space<smem>>
      memref.store %swap3A_494, %arg5[%swap3A_496] : memref<4xi32, #tpu.memory_space<smem>>
      %swap3A_498 = arith.constant 42 : i32
      %swap3A_499 = arith.constant 3 : i32
      %swap3A_500 = arith.index_cast %swap3A_499 : i32 to index
      %swap3A_501 = memref.load %arg5[%swap3A_500] : memref<4xi32, #tpu.memory_space<smem>>
      memref.store %swap3A_498, %arg5[%swap3A_500] : memref<4xi32, #tpu.memory_space<smem>>
    } else {
    }
    %eq3A_30 = arith.constant 6 : i32
    %eq3A_31 = arith.cmpi eq, %add3A, %eq3A_30 : i32
    %convert_element_type3A_32 = arith.extui %eq3A_31 : i1 to i32
    %cond3A_33 = arith.constant 0 : i32
    %cond3A_34 = arith.cmpi ne, %convert_element_type3A_32, %cond3A_33 : i32
    scf.if %cond3A_34 {
      %swap3A = arith.constant 55 : i32
      %swap3A_487 = arith.constant 0 : i32
      %swap3A_488 = arith.index_cast %swap3A_487 : i32 to index
      %swap3A_489 = memref.load %arg5[%swap3A_488] : memref<4xi32, #tpu.memory_space<smem>>
      memref.store %swap3A, %arg5[%swap3A_488] : memref<4xi32, #tpu.memory_space<smem>>
      %swap3A_490 = arith.constant 4 : i32
      %swap3A_491 = arith.constant 1 : i32
      %swap3A_492 = arith.index_cast %swap3A_491 : i32 to index
      %swap3A_493 = memref.load %arg5[%swap3A_492] : memref<4xi32, #tpu.memory_space<smem>>
      memref.store %swap3A_490, %arg5[%swap3A_492] : memref<4xi32, #tpu.memory_space<smem>>
      %swap3A_494 = arith.constant 31 : i32
      %swap3A_495 = arith.constant 2 : i32
      %swap3A_496 = arith.index_cast %swap3A_495 : i32 to index
      %swap3A_497 = memref.load %arg5[%swap3A_496] : memref<4xi32, #tpu.memory_space<smem>>
      memref.store %swap3A_494, %arg5[%swap3A_496] : memref<4xi32, #tpu.memory_space<smem>>
      %swap3A_498 = arith.constant 14 : i32
      %swap3A_499 = arith.constant 3 : i32
      %swap3A_500 = arith.index_cast %swap3A_499 : i32 to index
      %swap3A_501 = memref.load %arg5[%swap3A_500] : memref<4xi32, #tpu.memory_space<smem>>
      memref.store %swap3A_498, %arg5[%swap3A_500] : memref<4xi32, #tpu.memory_space<smem>>
    } else {
    }
    %eq3A_35 = arith.constant 7 : i32
    %eq3A_36 = arith.cmpi eq, %add3A, %eq3A_35 : i32
    %convert_element_type3A_37 = arith.extui %eq3A_36 : i1 to i32
    %cond3A_38 = arith.constant 0 : i32
    %cond3A_39 = arith.cmpi ne, %convert_element_type3A_37, %cond3A_38 : i32
    scf.if %cond3A_39 {
      %swap3A = arith.constant 0 : i32
      %swap3A_487 = arith.constant 0 : i32
      %swap3A_488 = arith.index_cast %swap3A_487 : i32 to index
      %swap3A_489 = memref.load %arg5[%swap3A_488] : memref<4xi32, #tpu.memory_space<smem>>
      memref.store %swap3A, %arg5[%swap3A_488] : memref<4xi32, #tpu.memory_space<smem>>
      %swap3A_490 = arith.constant 43 : i32
      %swap3A_491 = arith.constant 1 : i32
      %swap3A_492 = arith.index_cast %swap3A_491 : i32 to index
      %swap3A_493 = memref.load %arg5[%swap3A_492] : memref<4xi32, #tpu.memory_space<smem>>
      memref.store %swap3A_490, %arg5[%swap3A_492] : memref<4xi32, #tpu.memory_space<smem>>
      %swap3A_494 = arith.constant 34 : i32
      %swap3A_495 = arith.constant 2 : i32
      %swap3A_496 = arith.index_cast %swap3A_495 : i32 to index
      %swap3A_497 = memref.load %arg5[%swap3A_496] : memref<4xi32, #tpu.memory_space<smem>>
      memref.store %swap3A_494, %arg5[%swap3A_496] : memref<4xi32, #tpu.memory_space<smem>>
      %swap3A_498 = arith.constant 3 : i32
      %swap3A_499 = arith.constant 3 : i32
      %swap3A_500 = arith.index_cast %swap3A_499 : i32 to index
      %swap3A_501 = memref.load %arg5[%swap3A_500] : memref<4xi32, #tpu.memory_space<smem>>
      memref.store %swap3A_498, %arg5[%swap3A_500] : memref<4xi32, #tpu.memory_space<smem>>
    } else {
    }
    %eq3A_40 = arith.constant 8 : i32
    %eq3A_41 = arith.cmpi eq, %add3A, %eq3A_40 : i32
    %convert_element_type3A_42 = arith.extui %eq3A_41 : i1 to i32
    %cond3A_43 = arith.constant 0 : i32
    %cond3A_44 = arith.cmpi ne, %convert_element_type3A_42, %cond3A_43 : i32
    scf.if %cond3A_44 {
      %swap3A = arith.constant 50 : i32
      %swap3A_487 = arith.constant 0 : i32
      %swap3A_488 = arith.index_cast %swap3A_487 : i32 to index
      %swap3A_489 = memref.load %arg5[%swap3A_488] : memref<4xi32, #tpu.memory_space<smem>>
      memref.store %swap3A, %arg5[%swap3A_488] : memref<4xi32, #tpu.memory_space<smem>>
      %swap3A_490 = arith.constant 5 : i32
      %swap3A_491 = arith.constant 1 : i32
      %swap3A_492 = arith.index_cast %swap3A_491 : i32 to index
      %swap3A_493 = memref.load %arg5[%swap3A_492] : memref<4xi32, #tpu.memory_space<smem>>
      memref.store %swap3A_490, %arg5[%swap3A_492] : memref<4xi32, #tpu.memory_space<smem>>
      %swap3A_494 = arith.constant 17 : i32
      %swap3A_495 = arith.constant 2 : i32
      %swap3A_496 = arith.index_cast %swap3A_495 : i32 to index
      %swap3A_497 = memref.load %arg5[%swap3A_496] : memref<4xi32, #tpu.memory_space<smem>>
      memref.store %swap3A_494, %arg5[%swap3A_496] : memref<4xi32, #tpu.memory_space<smem>>
      %swap3A_498 = arith.constant 37 : i32
      %swap3A_499 = arith.constant 3 : i32
      %swap3A_500 = arith.index_cast %swap3A_499 : i32 to index
      %swap3A_501 = memref.load %arg5[%swap3A_500] : memref<4xi32, #tpu.memory_space<smem>>
      memref.store %swap3A_498, %arg5[%swap3A_500] : memref<4xi32, #tpu.memory_space<smem>>
    } else {
    }
    %eq3A_45 = arith.constant 9 : i32
    %eq3A_46 = arith.cmpi eq, %add3A, %eq3A_45 : i32
    %convert_element_type3A_47 = arith.extui %eq3A_46 : i1 to i32
    %cond3A_48 = arith.constant 0 : i32
    %cond3A_49 = arith.cmpi ne, %convert_element_type3A_47, %cond3A_48 : i32
    scf.if %cond3A_49 {
      %swap3A = arith.constant 28 : i32
      %swap3A_487 = arith.constant 0 : i32
      %swap3A_488 = arith.index_cast %swap3A_487 : i32 to index
      %swap3A_489 = memref.load %arg5[%swap3A_488] : memref<4xi32, #tpu.memory_space<smem>>
      memref.store %swap3A, %arg5[%swap3A_488] : memref<4xi32, #tpu.memory_space<smem>>
      %swap3A_490 = arith.constant 2 : i32
      %swap3A_491 = arith.constant 1 : i32
      %swap3A_492 = arith.index_cast %swap3A_491 : i32 to index
      %swap3A_493 = memref.load %arg5[%swap3A_492] : memref<4xi32, #tpu.memory_space<smem>>
      memref.store %swap3A_490, %arg5[%swap3A_492] : memref<4xi32, #tpu.memory_space<smem>>
      %swap3A_494 = arith.constant 41 : i32
      %swap3A_495 = arith.constant 2 : i32
      %swap3A_496 = arith.index_cast %swap3A_495 : i32 to index
      %swap3A_497 = memref.load %arg5[%swap3A_496] : memref<4xi32, #tpu.memory_space<smem>>
      memref.store %swap3A_494, %arg5[%swap3A_496] : memref<4xi32, #tpu.memory_space<smem>>
      %swap3A_498 = arith.constant 23 : i32
      %swap3A_499 = arith.constant 3 : i32
      %swap3A_500 = arith.index_cast %swap3A_499 : i32 to index
      %swap3A_501 = memref.load %arg5[%swap3A_500] : memref<4xi32, #tpu.memory_space<smem>>
      memref.store %swap3A_498, %arg5[%swap3A_500] : memref<4xi32, #tpu.memory_space<smem>>
    } else {
    }
    %eq3A_50 = arith.constant 10 : i32
    %eq3A_51 = arith.cmpi eq, %add3A, %eq3A_50 : i32
    %convert_element_type3A_52 = arith.extui %eq3A_51 : i1 to i32
    %cond3A_53 = arith.constant 0 : i32
    %cond3A_54 = arith.cmpi ne, %convert_element_type3A_52, %cond3A_53 : i32
    scf.if %cond3A_54 {
      %swap3A = arith.constant 58 : i32
      %swap3A_487 = arith.constant 0 : i32
      %swap3A_488 = arith.index_cast %swap3A_487 : i32 to index
      %swap3A_489 = memref.load %arg5[%swap3A_488] : memref<4xi32, #tpu.memory_space<smem>>
      memref.store %swap3A, %arg5[%swap3A_488] : memref<4xi32, #tpu.memory_space<smem>>
      %swap3A_490 = arith.constant 44 : i32
      %swap3A_491 = arith.constant 1 : i32
      %swap3A_492 = arith.index_cast %swap3A_491 : i32 to index
      %swap3A_493 = memref.load %arg5[%swap3A_492] : memref<4xi32, #tpu.memory_space<smem>>
      memref.store %swap3A_490, %arg5[%swap3A_492] : memref<4xi32, #tpu.memory_space<smem>>
      %swap3A_494 = arith.constant 54 : i32
      %swap3A_495 = arith.constant 2 : i32
      %swap3A_496 = arith.index_cast %swap3A_495 : i32 to index
      %swap3A_497 = memref.load %arg5[%swap3A_496] : memref<4xi32, #tpu.memory_space<smem>>
      memref.store %swap3A_494, %arg5[%swap3A_496] : memref<4xi32, #tpu.memory_space<smem>>
      %swap3A_498 = arith.constant 48 : i32
      %swap3A_499 = arith.constant 3 : i32
      %swap3A_500 = arith.index_cast %swap3A_499 : i32 to index
      %swap3A_501 = memref.load %arg5[%swap3A_500] : memref<4xi32, #tpu.memory_space<smem>>
      memref.store %swap3A_498, %arg5[%swap3A_500] : memref<4xi32, #tpu.memory_space<smem>>
    } else {
    }
    %eq3A_55 = arith.constant 11 : i32
    %eq3A_56 = arith.cmpi eq, %add3A, %eq3A_55 : i32
    %convert_element_type3A_57 = arith.extui %eq3A_56 : i1 to i32
    %cond3A_58 = arith.constant 0 : i32
    %cond3A_59 = arith.cmpi ne, %convert_element_type3A_57, %cond3A_58 : i32
    scf.if %cond3A_59 {
      %swap3A = arith.constant 46 : i32
      %swap3A_487 = arith.constant 0 : i32
      %swap3A_488 = arith.index_cast %swap3A_487 : i32 to index
      %swap3A_489 = memref.load %arg5[%swap3A_488] : memref<4xi32, #tpu.memory_space<smem>>
      memref.store %swap3A, %arg5[%swap3A_488] : memref<4xi32, #tpu.memory_space<smem>>
      %swap3A_490 = arith.constant 36 : i32
      %swap3A_491 = arith.constant 1 : i32
      %swap3A_492 = arith.index_cast %swap3A_491 : i32 to index
      %swap3A_493 = memref.load %arg5[%swap3A_492] : memref<4xi32, #tpu.memory_space<smem>>
      memref.store %swap3A_490, %arg5[%swap3A_492] : memref<4xi32, #tpu.memory_space<smem>>
      %swap3A_494 = arith.constant 1 : i32
      %swap3A_495 = arith.constant 2 : i32
      %swap3A_496 = arith.index_cast %swap3A_495 : i32 to index
      %swap3A_497 = memref.load %arg5[%swap3A_496] : memref<4xi32, #tpu.memory_space<smem>>
      memref.store %swap3A_494, %arg5[%swap3A_496] : memref<4xi32, #tpu.memory_space<smem>>
      %swap3A_498 = arith.constant 8 : i32
      %swap3A_499 = arith.constant 3 : i32
      %swap3A_500 = arith.index_cast %swap3A_499 : i32 to index
      %swap3A_501 = memref.load %arg5[%swap3A_500] : memref<4xi32, #tpu.memory_space<smem>>
      memref.store %swap3A_498, %arg5[%swap3A_500] : memref<4xi32, #tpu.memory_space<smem>>
    } else {
    }
    %eq3A_60 = arith.constant 12 : i32
    %eq3A_61 = arith.cmpi eq, %add3A, %eq3A_60 : i32
    %convert_element_type3A_62 = arith.extui %eq3A_61 : i1 to i32
    %cond3A_63 = arith.constant 0 : i32
    %cond3A_64 = arith.cmpi ne, %convert_element_type3A_62, %cond3A_63 : i32
    scf.if %cond3A_64 {
      %swap3A = arith.constant 16 : i32
      %swap3A_487 = arith.constant 0 : i32
      %swap3A_488 = arith.index_cast %swap3A_487 : i32 to index
      %swap3A_489 = memref.load %arg5[%swap3A_488] : memref<4xi32, #tpu.memory_space<smem>>
      memref.store %swap3A, %arg5[%swap3A_488] : memref<4xi32, #tpu.memory_space<smem>>
      %swap3A_490 = arith.constant 33 : i32
      %swap3A_491 = arith.constant 1 : i32
      %swap3A_492 = arith.index_cast %swap3A_491 : i32 to index
      %swap3A_493 = memref.load %arg5[%swap3A_492] : memref<4xi32, #tpu.memory_space<smem>>
      memref.store %swap3A_490, %arg5[%swap3A_492] : memref<4xi32, #tpu.memory_space<smem>>
      %swap3A_494 = arith.constant 30 : i32
      %swap3A_495 = arith.constant 2 : i32
      %swap3A_496 = arith.index_cast %swap3A_495 : i32 to index
      %swap3A_497 = memref.load %arg5[%swap3A_496] : memref<4xi32, #tpu.memory_space<smem>>
      memref.store %swap3A_494, %arg5[%swap3A_496] : memref<4xi32, #tpu.memory_space<smem>>
      %swap3A_498 = arith.constant 7 : i32
      %swap3A_499 = arith.constant 3 : i32
      %swap3A_500 = arith.index_cast %swap3A_499 : i32 to index
      %swap3A_501 = memref.load %arg5[%swap3A_500] : memref<4xi32, #tpu.memory_space<smem>>
      memref.store %swap3A_498, %arg5[%swap3A_500] : memref<4xi32, #tpu.memory_space<smem>>
    } else {
    }
    %eq3A_65 = arith.constant 13 : i32
    %eq3A_66 = arith.cmpi eq, %add3A, %eq3A_65 : i32
    %convert_element_type3A_67 = arith.extui %eq3A_66 : i1 to i32
    %cond3A_68 = arith.constant 0 : i32
    %cond3A_69 = arith.cmpi ne, %convert_element_type3A_67, %cond3A_68 : i32
    scf.if %cond3A_69 {
      %swap3A = arith.constant 19 : i32
      %swap3A_487 = arith.constant 0 : i32
      %swap3A_488 = arith.index_cast %swap3A_487 : i32 to index
      %swap3A_489 = memref.load %arg5[%swap3A_488] : memref<4xi32, #tpu.memory_space<smem>>
      memref.store %swap3A, %arg5[%swap3A_488] : memref<4xi32, #tpu.memory_space<smem>>
      %swap3A_490 = arith.constant 15 : i32
      %swap3A_491 = arith.constant 1 : i32
      %swap3A_492 = arith.index_cast %swap3A_491 : i32 to index
      %swap3A_493 = memref.load %arg5[%swap3A_492] : memref<4xi32, #tpu.memory_space<smem>>
      memref.store %swap3A_490, %arg5[%swap3A_492] : memref<4xi32, #tpu.memory_space<smem>>
      %swap3A_494 = arith.constant 9 : i32
      %swap3A_495 = arith.constant 2 : i32
      %swap3A_496 = arith.index_cast %swap3A_495 : i32 to index
      %swap3A_497 = memref.load %arg5[%swap3A_496] : memref<4xi32, #tpu.memory_space<smem>>
      memref.store %swap3A_494, %arg5[%swap3A_496] : memref<4xi32, #tpu.memory_space<smem>>
      %swap3A_498 = arith.constant 62 : i32
      %swap3A_499 = arith.constant 3 : i32
      %swap3A_500 = arith.index_cast %swap3A_499 : i32 to index
      %swap3A_501 = memref.load %arg5[%swap3A_500] : memref<4xi32, #tpu.memory_space<smem>>
      memref.store %swap3A_498, %arg5[%swap3A_500] : memref<4xi32, #tpu.memory_space<smem>>
    } else {
    }
    %eq3A_70 = arith.constant 14 : i32
    %eq3A_71 = arith.cmpi eq, %add3A, %eq3A_70 : i32
    %convert_element_type3A_72 = arith.extui %eq3A_71 : i1 to i32
    %cond3A_73 = arith.constant 0 : i32
    %cond3A_74 = arith.cmpi ne, %convert_element_type3A_72, %cond3A_73 : i32
    scf.if %cond3A_74 {
      %swap3A = arith.constant 13 : i32
      %swap3A_487 = arith.constant 0 : i32
      %swap3A_488 = arith.index_cast %swap3A_487 : i32 to index
      %swap3A_489 = memref.load %arg5[%swap3A_488] : memref<4xi32, #tpu.memory_space<smem>>
      memref.store %swap3A, %arg5[%swap3A_488] : memref<4xi32, #tpu.memory_space<smem>>
      %swap3A_490 = arith.constant 11 : i32
      %swap3A_491 = arith.constant 1 : i32
      %swap3A_492 = arith.index_cast %swap3A_491 : i32 to index
      %swap3A_493 = memref.load %arg5[%swap3A_492] : memref<4xi32, #tpu.memory_space<smem>>
      memref.store %swap3A_490, %arg5[%swap3A_492] : memref<4xi32, #tpu.memory_space<smem>>
      %swap3A_494 = arith.constant 59 : i32
      %swap3A_495 = arith.constant 2 : i32
      %swap3A_496 = arith.index_cast %swap3A_495 : i32 to index
      %swap3A_497 = memref.load %arg5[%swap3A_496] : memref<4xi32, #tpu.memory_space<smem>>
      memref.store %swap3A_494, %arg5[%swap3A_496] : memref<4xi32, #tpu.memory_space<smem>>
      %swap3A_498 = arith.constant 47 : i32
      %swap3A_499 = arith.constant 3 : i32
      %swap3A_500 = arith.index_cast %swap3A_499 : i32 to index
      %swap3A_501 = memref.load %arg5[%swap3A_500] : memref<4xi32, #tpu.memory_space<smem>>
      memref.store %swap3A_498, %arg5[%swap3A_500] : memref<4xi32, #tpu.memory_space<smem>>
    } else {
    }
    %eq3A_75 = arith.constant 15 : i32
    %eq3A_76 = arith.cmpi eq, %add3A, %eq3A_75 : i32
    %convert_element_type3A_77 = arith.extui %eq3A_76 : i1 to i32
    %cond3A_78 = arith.constant 0 : i32
    %cond3A_79 = arith.cmpi ne, %convert_element_type3A_77, %cond3A_78 : i32
    scf.if %cond3A_79 {
      %swap3A = arith.constant 25 : i32
      %swap3A_487 = arith.constant 0 : i32
      %swap3A_488 = arith.index_cast %swap3A_487 : i32 to index
      %swap3A_489 = memref.load %arg5[%swap3A_488] : memref<4xi32, #tpu.memory_space<smem>>
      memref.store %swap3A, %arg5[%swap3A_488] : memref<4xi32, #tpu.memory_space<smem>>
      %swap3A_490 = arith.constant 53 : i32
      %swap3A_491 = arith.constant 1 : i32
      %swap3A_492 = arith.index_cast %swap3A_491 : i32 to index
      %swap3A_493 = memref.load %arg5[%swap3A_492] : memref<4xi32, #tpu.memory_space<smem>>
      memref.store %swap3A_490, %arg5[%swap3A_492] : memref<4xi32, #tpu.memory_space<smem>>
      %swap3A_494 = arith.constant 12 : i32
      %swap3A_495 = arith.constant 2 : i32
      %swap3A_496 = arith.index_cast %swap3A_495 : i32 to index
      %swap3A_497 = memref.load %arg5[%swap3A_496] : memref<4xi32, #tpu.memory_space<smem>>
      memref.store %swap3A_494, %arg5[%swap3A_496] : memref<4xi32, #tpu.memory_space<smem>>
      %swap3A_498 = arith.constant 29 : i32
      %swap3A_499 = arith.constant 3 : i32
      %swap3A_500 = arith.index_cast %swap3A_499 : i32 to index
      %swap3A_501 = memref.load %arg5[%swap3A_500] : memref<4xi32, #tpu.memory_space<smem>>
      memref.store %swap3A_498, %arg5[%swap3A_500] : memref<4xi32, #tpu.memory_space<smem>>
    } else {
    }
    %eq3A_80 = arith.constant 16 : i32
    %eq3A_81 = arith.cmpi eq, %add3A, %eq3A_80 : i32
    %convert_element_type3A_82 = arith.extui %eq3A_81 : i1 to i32
    %cond3A_83 = arith.constant 0 : i32
    %cond3A_84 = arith.cmpi ne, %convert_element_type3A_82, %cond3A_83 : i32
    scf.if %cond3A_84 {
      %swap3A = arith.constant 64 : i32
      %swap3A_487 = arith.constant 0 : i32
      %swap3A_488 = arith.index_cast %swap3A_487 : i32 to index
      %swap3A_489 = memref.load %arg5[%swap3A_488] : memref<4xi32, #tpu.memory_space<smem>>
      memref.store %swap3A, %arg5[%swap3A_488] : memref<4xi32, #tpu.memory_space<smem>>
      %swap3A_490 = arith.constant 65 : i32
      %swap3A_491 = arith.constant 1 : i32
      %swap3A_492 = arith.index_cast %swap3A_491 : i32 to index
      %swap3A_493 = memref.load %arg5[%swap3A_492] : memref<4xi32, #tpu.memory_space<smem>>
      memref.store %swap3A_490, %arg5[%swap3A_492] : memref<4xi32, #tpu.memory_space<smem>>
      %swap3A_494 = arith.constant 66 : i32
      %swap3A_495 = arith.constant 2 : i32
      %swap3A_496 = arith.index_cast %swap3A_495 : i32 to index
      %swap3A_497 = memref.load %arg5[%swap3A_496] : memref<4xi32, #tpu.memory_space<smem>>
      memref.store %swap3A_494, %arg5[%swap3A_496] : memref<4xi32, #tpu.memory_space<smem>>
      %swap3A_498 = arith.constant 67 : i32
      %swap3A_499 = arith.constant 3 : i32
      %swap3A_500 = arith.index_cast %swap3A_499 : i32 to index
      %swap3A_501 = memref.load %arg5[%swap3A_500] : memref<4xi32, #tpu.memory_space<smem>>
      memref.store %swap3A_498, %arg5[%swap3A_500] : memref<4xi32, #tpu.memory_space<smem>>
    } else {
    }
    %eq3A_85 = arith.constant 17 : i32
    %eq3A_86 = arith.cmpi eq, %add3A, %eq3A_85 : i32
    %convert_element_type3A_87 = arith.extui %eq3A_86 : i1 to i32
    %cond3A_88 = arith.constant 0 : i32
    %cond3A_89 = arith.cmpi ne, %convert_element_type3A_87, %cond3A_88 : i32
    scf.if %cond3A_89 {
      %swap3A = arith.constant 68 : i32
      %swap3A_487 = arith.constant 0 : i32
      %swap3A_488 = arith.index_cast %swap3A_487 : i32 to index
      %swap3A_489 = memref.load %arg5[%swap3A_488] : memref<4xi32, #tpu.memory_space<smem>>
      memref.store %swap3A, %arg5[%swap3A_488] : memref<4xi32, #tpu.memory_space<smem>>
      %swap3A_490 = arith.constant 69 : i32
      %swap3A_491 = arith.constant 1 : i32
      %swap3A_492 = arith.index_cast %swap3A_491 : i32 to index
      %swap3A_493 = memref.load %arg5[%swap3A_492] : memref<4xi32, #tpu.memory_space<smem>>
      memref.store %swap3A_490, %arg5[%swap3A_492] : memref<4xi32, #tpu.memory_space<smem>>
      %swap3A_494 = arith.constant 70 : i32
      %swap3A_495 = arith.constant 2 : i32
      %swap3A_496 = arith.index_cast %swap3A_495 : i32 to index
      %swap3A_497 = memref.load %arg5[%swap3A_496] : memref<4xi32, #tpu.memory_space<smem>>
      memref.store %swap3A_494, %arg5[%swap3A_496] : memref<4xi32, #tpu.memory_space<smem>>
      %swap3A_498 = arith.constant 71 : i32
      %swap3A_499 = arith.constant 3 : i32
      %swap3A_500 = arith.index_cast %swap3A_499 : i32 to index
      %swap3A_501 = memref.load %arg5[%swap3A_500] : memref<4xi32, #tpu.memory_space<smem>>
      memref.store %swap3A_498, %arg5[%swap3A_500] : memref<4xi32, #tpu.memory_space<smem>>
    } else {
    }
    %eq3A_90 = arith.constant 18 : i32
    %eq3A_91 = arith.cmpi eq, %add3A, %eq3A_90 : i32
    %convert_element_type3A_92 = arith.extui %eq3A_91 : i1 to i32
    %cond3A_93 = arith.constant 0 : i32
    %cond3A_94 = arith.cmpi ne, %convert_element_type3A_92, %cond3A_93 : i32
    scf.if %cond3A_94 {
      %swap3A = arith.constant 72 : i32
      %swap3A_487 = arith.constant 0 : i32
      %swap3A_488 = arith.index_cast %swap3A_487 : i32 to index
      %swap3A_489 = memref.load %arg5[%swap3A_488] : memref<4xi32, #tpu.memory_space<smem>>
      memref.store %swap3A, %arg5[%swap3A_488] : memref<4xi32, #tpu.memory_space<smem>>
      %swap3A_490 = arith.constant 73 : i32
      %swap3A_491 = arith.constant 1 : i32
      %swap3A_492 = arith.index_cast %swap3A_491 : i32 to index
      %swap3A_493 = memref.load %arg5[%swap3A_492] : memref<4xi32, #tpu.memory_space<smem>>
      memref.store %swap3A_490, %arg5[%swap3A_492] : memref<4xi32, #tpu.memory_space<smem>>
      %swap3A_494 = arith.constant 74 : i32
      %swap3A_495 = arith.constant 2 : i32
      %swap3A_496 = arith.index_cast %swap3A_495 : i32 to index
      %swap3A_497 = memref.load %arg5[%swap3A_496] : memref<4xi32, #tpu.memory_space<smem>>
      memref.store %swap3A_494, %arg5[%swap3A_496] : memref<4xi32, #tpu.memory_space<smem>>
      %swap3A_498 = arith.constant 75 : i32
      %swap3A_499 = arith.constant 3 : i32
      %swap3A_500 = arith.index_cast %swap3A_499 : i32 to index
      %swap3A_501 = memref.load %arg5[%swap3A_500] : memref<4xi32, #tpu.memory_space<smem>>
      memref.store %swap3A_498, %arg5[%swap3A_500] : memref<4xi32, #tpu.memory_space<smem>>
    } else {
    }
    %eq3A_95 = arith.constant 19 : i32
    %eq3A_96 = arith.cmpi eq, %add3A, %eq3A_95 : i32
    %convert_element_type3A_97 = arith.extui %eq3A_96 : i1 to i32
    %cond3A_98 = arith.constant 0 : i32
    %cond3A_99 = arith.cmpi ne, %convert_element_type3A_97, %cond3A_98 : i32
    scf.if %cond3A_99 {
      %swap3A = arith.constant 76 : i32
      %swap3A_487 = arith.constant 0 : i32
      %swap3A_488 = arith.index_cast %swap3A_487 : i32 to index
      %swap3A_489 = memref.load %arg5[%swap3A_488] : memref<4xi32, #tpu.memory_space<smem>>
      memref.store %swap3A, %arg5[%swap3A_488] : memref<4xi32, #tpu.memory_space<smem>>
      %swap3A_490 = arith.constant 77 : i32
      %swap3A_491 = arith.constant 1 : i32
      %swap3A_492 = arith.index_cast %swap3A_491 : i32 to index
      %swap3A_493 = memref.load %arg5[%swap3A_492] : memref<4xi32, #tpu.memory_space<smem>>
      memref.store %swap3A_490, %arg5[%swap3A_492] : memref<4xi32, #tpu.memory_space<smem>>
      %swap3A_494 = arith.constant 78 : i32
      %swap3A_495 = arith.constant 2 : i32
      %swap3A_496 = arith.index_cast %swap3A_495 : i32 to index
      %swap3A_497 = memref.load %arg5[%swap3A_496] : memref<4xi32, #tpu.memory_space<smem>>
      memref.store %swap3A_494, %arg5[%swap3A_496] : memref<4xi32, #tpu.memory_space<smem>>
      %swap3A_498 = arith.constant 79 : i32
      %swap3A_499 = arith.constant 3 : i32
      %swap3A_500 = arith.index_cast %swap3A_499 : i32 to index
      %swap3A_501 = memref.load %arg5[%swap3A_500] : memref<4xi32, #tpu.memory_space<smem>>
      memref.store %swap3A_498, %arg5[%swap3A_500] : memref<4xi32, #tpu.memory_space<smem>>
    } else {
    }
    %eq3A_100 = arith.constant 20 : i32
    %eq3A_101 = arith.cmpi eq, %add3A, %eq3A_100 : i32
    %convert_element_type3A_102 = arith.extui %eq3A_101 : i1 to i32
    %cond3A_103 = arith.constant 0 : i32
    %cond3A_104 = arith.cmpi ne, %convert_element_type3A_102, %cond3A_103 : i32
    scf.if %cond3A_104 {
      %swap3A = arith.constant 80 : i32
      %swap3A_487 = arith.constant 0 : i32
      %swap3A_488 = arith.index_cast %swap3A_487 : i32 to index
      %swap3A_489 = memref.load %arg5[%swap3A_488] : memref<4xi32, #tpu.memory_space<smem>>
      memref.store %swap3A, %arg5[%swap3A_488] : memref<4xi32, #tpu.memory_space<smem>>
      %swap3A_490 = arith.constant 81 : i32
      %swap3A_491 = arith.constant 1 : i32
      %swap3A_492 = arith.index_cast %swap3A_491 : i32 to index
      %swap3A_493 = memref.load %arg5[%swap3A_492] : memref<4xi32, #tpu.memory_space<smem>>
      memref.store %swap3A_490, %arg5[%swap3A_492] : memref<4xi32, #tpu.memory_space<smem>>
      %swap3A_494 = arith.constant 82 : i32
      %swap3A_495 = arith.constant 2 : i32
      %swap3A_496 = arith.index_cast %swap3A_495 : i32 to index
      %swap3A_497 = memref.load %arg5[%swap3A_496] : memref<4xi32, #tpu.memory_space<smem>>
      memref.store %swap3A_494, %arg5[%swap3A_496] : memref<4xi32, #tpu.memory_space<smem>>
      %swap3A_498 = arith.constant 83 : i32
      %swap3A_499 = arith.constant 3 : i32
      %swap3A_500 = arith.index_cast %swap3A_499 : i32 to index
      %swap3A_501 = memref.load %arg5[%swap3A_500] : memref<4xi32, #tpu.memory_space<smem>>
      memref.store %swap3A_498, %arg5[%swap3A_500] : memref<4xi32, #tpu.memory_space<smem>>
    } else {
    }
    %eq3A_105 = arith.constant 21 : i32
    %eq3A_106 = arith.cmpi eq, %add3A, %eq3A_105 : i32
    %convert_element_type3A_107 = arith.extui %eq3A_106 : i1 to i32
    %cond3A_108 = arith.constant 0 : i32
    %cond3A_109 = arith.cmpi ne, %convert_element_type3A_107, %cond3A_108 : i32
    scf.if %cond3A_109 {
      %swap3A = arith.constant 84 : i32
      %swap3A_487 = arith.constant 0 : i32
      %swap3A_488 = arith.index_cast %swap3A_487 : i32 to index
      %swap3A_489 = memref.load %arg5[%swap3A_488] : memref<4xi32, #tpu.memory_space<smem>>
      memref.store %swap3A, %arg5[%swap3A_488] : memref<4xi32, #tpu.memory_space<smem>>
      %swap3A_490 = arith.constant 85 : i32
      %swap3A_491 = arith.constant 1 : i32
      %swap3A_492 = arith.index_cast %swap3A_491 : i32 to index
      %swap3A_493 = memref.load %arg5[%swap3A_492] : memref<4xi32, #tpu.memory_space<smem>>
      memref.store %swap3A_490, %arg5[%swap3A_492] : memref<4xi32, #tpu.memory_space<smem>>
      %swap3A_494 = arith.constant 86 : i32
      %swap3A_495 = arith.constant 2 : i32
      %swap3A_496 = arith.index_cast %swap3A_495 : i32 to index
      %swap3A_497 = memref.load %arg5[%swap3A_496] : memref<4xi32, #tpu.memory_space<smem>>
      memref.store %swap3A_494, %arg5[%swap3A_496] : memref<4xi32, #tpu.memory_space<smem>>
      %swap3A_498 = arith.constant 87 : i32
      %swap3A_499 = arith.constant 3 : i32
      %swap3A_500 = arith.index_cast %swap3A_499 : i32 to index
      %swap3A_501 = memref.load %arg5[%swap3A_500] : memref<4xi32, #tpu.memory_space<smem>>
      memref.store %swap3A_498, %arg5[%swap3A_500] : memref<4xi32, #tpu.memory_space<smem>>
    } else {
    }
    %eq3A_110 = arith.constant 22 : i32
    %eq3A_111 = arith.cmpi eq, %add3A, %eq3A_110 : i32
    %convert_element_type3A_112 = arith.extui %eq3A_111 : i1 to i32
    %cond3A_113 = arith.constant 0 : i32
    %cond3A_114 = arith.cmpi ne, %convert_element_type3A_112, %cond3A_113 : i32
    scf.if %cond3A_114 {
      %swap3A = arith.constant 88 : i32
      %swap3A_487 = arith.constant 0 : i32
      %swap3A_488 = arith.index_cast %swap3A_487 : i32 to index
      %swap3A_489 = memref.load %arg5[%swap3A_488] : memref<4xi32, #tpu.memory_space<smem>>
      memref.store %swap3A, %arg5[%swap3A_488] : memref<4xi32, #tpu.memory_space<smem>>
      %swap3A_490 = arith.constant 89 : i32
      %swap3A_491 = arith.constant 1 : i32
      %swap3A_492 = arith.index_cast %swap3A_491 : i32 to index
      %swap3A_493 = memref.load %arg5[%swap3A_492] : memref<4xi32, #tpu.memory_space<smem>>
      memref.store %swap3A_490, %arg5[%swap3A_492] : memref<4xi32, #tpu.memory_space<smem>>
      %swap3A_494 = arith.constant 90 : i32
      %swap3A_495 = arith.constant 2 : i32
      %swap3A_496 = arith.index_cast %swap3A_495 : i32 to index
      %swap3A_497 = memref.load %arg5[%swap3A_496] : memref<4xi32, #tpu.memory_space<smem>>
      memref.store %swap3A_494, %arg5[%swap3A_496] : memref<4xi32, #tpu.memory_space<smem>>
      %swap3A_498 = arith.constant 91 : i32
      %swap3A_499 = arith.constant 3 : i32
      %swap3A_500 = arith.index_cast %swap3A_499 : i32 to index
      %swap3A_501 = memref.load %arg5[%swap3A_500] : memref<4xi32, #tpu.memory_space<smem>>
      memref.store %swap3A_498, %arg5[%swap3A_500] : memref<4xi32, #tpu.memory_space<smem>>
    } else {
    }
    %eq3A_115 = arith.constant 23 : i32
    %eq3A_116 = arith.cmpi eq, %add3A, %eq3A_115 : i32
    %convert_element_type3A_117 = arith.extui %eq3A_116 : i1 to i32
    %cond3A_118 = arith.constant 0 : i32
    %cond3A_119 = arith.cmpi ne, %convert_element_type3A_117, %cond3A_118 : i32
    scf.if %cond3A_119 {
      %swap3A = arith.constant 92 : i32
      %swap3A_487 = arith.constant 0 : i32
      %swap3A_488 = arith.index_cast %swap3A_487 : i32 to index
      %swap3A_489 = memref.load %arg5[%swap3A_488] : memref<4xi32, #tpu.memory_space<smem>>
      memref.store %swap3A, %arg5[%swap3A_488] : memref<4xi32, #tpu.memory_space<smem>>
      %swap3A_490 = arith.constant 93 : i32
      %swap3A_491 = arith.constant 1 : i32
      %swap3A_492 = arith.index_cast %swap3A_491 : i32 to index
      %swap3A_493 = memref.load %arg5[%swap3A_492] : memref<4xi32, #tpu.memory_space<smem>>
      memref.store %swap3A_490, %arg5[%swap3A_492] : memref<4xi32, #tpu.memory_space<smem>>
      %swap3A_494 = arith.constant 94 : i32
      %swap3A_495 = arith.constant 2 : i32
      %swap3A_496 = arith.index_cast %swap3A_495 : i32 to index
      %swap3A_497 = memref.load %arg5[%swap3A_496] : memref<4xi32, #tpu.memory_space<smem>>
      memref.store %swap3A_494, %arg5[%swap3A_496] : memref<4xi32, #tpu.memory_space<smem>>
      %swap3A_498 = arith.constant 95 : i32
      %swap3A_499 = arith.constant 3 : i32
      %swap3A_500 = arith.index_cast %swap3A_499 : i32 to index
      %swap3A_501 = memref.load %arg5[%swap3A_500] : memref<4xi32, #tpu.memory_space<smem>>
      memref.store %swap3A_498, %arg5[%swap3A_500] : memref<4xi32, #tpu.memory_space<smem>>
    } else {
    }
    %eq3A_120 = arith.constant 24 : i32
    %eq3A_121 = arith.cmpi eq, %add3A, %eq3A_120 : i32
    %convert_element_type3A_122 = arith.extui %eq3A_121 : i1 to i32
    %cond3A_123 = arith.constant 0 : i32
    %cond3A_124 = arith.cmpi ne, %convert_element_type3A_122, %cond3A_123 : i32
    scf.if %cond3A_124 {
      %swap3A = arith.constant 96 : i32
      %swap3A_487 = arith.constant 0 : i32
      %swap3A_488 = arith.index_cast %swap3A_487 : i32 to index
      %swap3A_489 = memref.load %arg5[%swap3A_488] : memref<4xi32, #tpu.memory_space<smem>>
      memref.store %swap3A, %arg5[%swap3A_488] : memref<4xi32, #tpu.memory_space<smem>>
      %swap3A_490 = arith.constant 97 : i32
      %swap3A_491 = arith.constant 1 : i32
      %swap3A_492 = arith.index_cast %swap3A_491 : i32 to index
      %swap3A_493 = memref.load %arg5[%swap3A_492] : memref<4xi32, #tpu.memory_space<smem>>
      memref.store %swap3A_490, %arg5[%swap3A_492] : memref<4xi32, #tpu.memory_space<smem>>
      %swap3A_494 = arith.constant 98 : i32
      %swap3A_495 = arith.constant 2 : i32
      %swap3A_496 = arith.index_cast %swap3A_495 : i32 to index
      %swap3A_497 = memref.load %arg5[%swap3A_496] : memref<4xi32, #tpu.memory_space<smem>>
      memref.store %swap3A_494, %arg5[%swap3A_496] : memref<4xi32, #tpu.memory_space<smem>>
      %swap3A_498 = arith.constant 99 : i32
      %swap3A_499 = arith.constant 3 : i32
      %swap3A_500 = arith.index_cast %swap3A_499 : i32 to index
      %swap3A_501 = memref.load %arg5[%swap3A_500] : memref<4xi32, #tpu.memory_space<smem>>
      memref.store %swap3A_498, %arg5[%swap3A_500] : memref<4xi32, #tpu.memory_space<smem>>
    } else {
    }
    %eq3A_125 = arith.constant 25 : i32
    %eq3A_126 = arith.cmpi eq, %add3A, %eq3A_125 : i32
    %convert_element_type3A_127 = arith.extui %eq3A_126 : i1 to i32
    %cond3A_128 = arith.constant 0 : i32
    %cond3A_129 = arith.cmpi ne, %convert_element_type3A_127, %cond3A_128 : i32
    scf.if %cond3A_129 {
      %swap3A = arith.constant 100 : i32
      %swap3A_487 = arith.constant 0 : i32
      %swap3A_488 = arith.index_cast %swap3A_487 : i32 to index
      %swap3A_489 = memref.load %arg5[%swap3A_488] : memref<4xi32, #tpu.memory_space<smem>>
      memref.store %swap3A, %arg5[%swap3A_488] : memref<4xi32, #tpu.memory_space<smem>>
      %swap3A_490 = arith.constant 101 : i32
      %swap3A_491 = arith.constant 1 : i32
      %swap3A_492 = arith.index_cast %swap3A_491 : i32 to index
      %swap3A_493 = memref.load %arg5[%swap3A_492] : memref<4xi32, #tpu.memory_space<smem>>
      memref.store %swap3A_490, %arg5[%swap3A_492] : memref<4xi32, #tpu.memory_space<smem>>
      %swap3A_494 = arith.constant 102 : i32
      %swap3A_495 = arith.constant 2 : i32
      %swap3A_496 = arith.index_cast %swap3A_495 : i32 to index
      %swap3A_497 = memref.load %arg5[%swap3A_496] : memref<4xi32, #tpu.memory_space<smem>>
      memref.store %swap3A_494, %arg5[%swap3A_496] : memref<4xi32, #tpu.memory_space<smem>>
      %swap3A_498 = arith.constant 103 : i32
      %swap3A_499 = arith.constant 3 : i32
      %swap3A_500 = arith.index_cast %swap3A_499 : i32 to index
      %swap3A_501 = memref.load %arg5[%swap3A_500] : memref<4xi32, #tpu.memory_space<smem>>
      memref.store %swap3A_498, %arg5[%swap3A_500] : memref<4xi32, #tpu.memory_space<smem>>
    } else {
    }
    %eq3A_130 = arith.constant 26 : i32
    %eq3A_131 = arith.cmpi eq, %add3A, %eq3A_130 : i32
    %convert_element_type3A_132 = arith.extui %eq3A_131 : i1 to i32
    %cond3A_133 = arith.constant 0 : i32
    %cond3A_134 = arith.cmpi ne, %convert_element_type3A_132, %cond3A_133 : i32
    scf.if %cond3A_134 {
      %swap3A = arith.constant 104 : i32
      %swap3A_487 = arith.constant 0 : i32
      %swap3A_488 = arith.index_cast %swap3A_487 : i32 to index
      %swap3A_489 = memref.load %arg5[%swap3A_488] : memref<4xi32, #tpu.memory_space<smem>>
      memref.store %swap3A, %arg5[%swap3A_488] : memref<4xi32, #tpu.memory_space<smem>>
      %swap3A_490 = arith.constant 105 : i32
      %swap3A_491 = arith.constant 1 : i32
      %swap3A_492 = arith.index_cast %swap3A_491 : i32 to index
      %swap3A_493 = memref.load %arg5[%swap3A_492] : memref<4xi32, #tpu.memory_space<smem>>
      memref.store %swap3A_490, %arg5[%swap3A_492] : memref<4xi32, #tpu.memory_space<smem>>
      %swap3A_494 = arith.constant 106 : i32
      %swap3A_495 = arith.constant 2 : i32
      %swap3A_496 = arith.index_cast %swap3A_495 : i32 to index
      %swap3A_497 = memref.load %arg5[%swap3A_496] : memref<4xi32, #tpu.memory_space<smem>>
      memref.store %swap3A_494, %arg5[%swap3A_496] : memref<4xi32, #tpu.memory_space<smem>>
      %swap3A_498 = arith.constant 107 : i32
      %swap3A_499 = arith.constant 3 : i32
      %swap3A_500 = arith.index_cast %swap3A_499 : i32 to index
      %swap3A_501 = memref.load %arg5[%swap3A_500] : memref<4xi32, #tpu.memory_space<smem>>
      memref.store %swap3A_498, %arg5[%swap3A_500] : memref<4xi32, #tpu.memory_space<smem>>
    } else {
    }
    %eq3A_135 = arith.constant 27 : i32
    %eq3A_136 = arith.cmpi eq, %add3A, %eq3A_135 : i32
    %convert_element_type3A_137 = arith.extui %eq3A_136 : i1 to i32
    %cond3A_138 = arith.constant 0 : i32
    %cond3A_139 = arith.cmpi ne, %convert_element_type3A_137, %cond3A_138 : i32
    scf.if %cond3A_139 {
      %swap3A = arith.constant 108 : i32
      %swap3A_487 = arith.constant 0 : i32
      %swap3A_488 = arith.index_cast %swap3A_487 : i32 to index
      %swap3A_489 = memref.load %arg5[%swap3A_488] : memref<4xi32, #tpu.memory_space<smem>>
      memref.store %swap3A, %arg5[%swap3A_488] : memref<4xi32, #tpu.memory_space<smem>>
      %swap3A_490 = arith.constant 109 : i32
      %swap3A_491 = arith.constant 1 : i32
      %swap3A_492 = arith.index_cast %swap3A_491 : i32 to index
      %swap3A_493 = memref.load %arg5[%swap3A_492] : memref<4xi32, #tpu.memory_space<smem>>
      memref.store %swap3A_490, %arg5[%swap3A_492] : memref<4xi32, #tpu.memory_space<smem>>
      %swap3A_494 = arith.constant 110 : i32
      %swap3A_495 = arith.constant 2 : i32
      %swap3A_496 = arith.index_cast %swap3A_495 : i32 to index
      %swap3A_497 = memref.load %arg5[%swap3A_496] : memref<4xi32, #tpu.memory_space<smem>>
      memref.store %swap3A_494, %arg5[%swap3A_496] : memref<4xi32, #tpu.memory_space<smem>>
      %swap3A_498 = arith.constant 111 : i32
      %swap3A_499 = arith.constant 3 : i32
      %swap3A_500 = arith.index_cast %swap3A_499 : i32 to index
      %swap3A_501 = memref.load %arg5[%swap3A_500] : memref<4xi32, #tpu.memory_space<smem>>
      memref.store %swap3A_498, %arg5[%swap3A_500] : memref<4xi32, #tpu.memory_space<smem>>
    } else {
    }
    %eq3A_140 = arith.constant 28 : i32
    %eq3A_141 = arith.cmpi eq, %add3A, %eq3A_140 : i32
    %convert_element_type3A_142 = arith.extui %eq3A_141 : i1 to i32
    %cond3A_143 = arith.constant 0 : i32
    %cond3A_144 = arith.cmpi ne, %convert_element_type3A_142, %cond3A_143 : i32
    scf.if %cond3A_144 {
      %swap3A = arith.constant 112 : i32
      %swap3A_487 = arith.constant 0 : i32
      %swap3A_488 = arith.index_cast %swap3A_487 : i32 to index
      %swap3A_489 = memref.load %arg5[%swap3A_488] : memref<4xi32, #tpu.memory_space<smem>>
      memref.store %swap3A, %arg5[%swap3A_488] : memref<4xi32, #tpu.memory_space<smem>>
      %swap3A_490 = arith.constant 113 : i32
      %swap3A_491 = arith.constant 1 : i32
      %swap3A_492 = arith.index_cast %swap3A_491 : i32 to index
      %swap3A_493 = memref.load %arg5[%swap3A_492] : memref<4xi32, #tpu.memory_space<smem>>
      memref.store %swap3A_490, %arg5[%swap3A_492] : memref<4xi32, #tpu.memory_space<smem>>
      %swap3A_494 = arith.constant 114 : i32
      %swap3A_495 = arith.constant 2 : i32
      %swap3A_496 = arith.index_cast %swap3A_495 : i32 to index
      %swap3A_497 = memref.load %arg5[%swap3A_496] : memref<4xi32, #tpu.memory_space<smem>>
      memref.store %swap3A_494, %arg5[%swap3A_496] : memref<4xi32, #tpu.memory_space<smem>>
      %swap3A_498 = arith.constant 115 : i32
      %swap3A_499 = arith.constant 3 : i32
      %swap3A_500 = arith.index_cast %swap3A_499 : i32 to index
      %swap3A_501 = memref.load %arg5[%swap3A_500] : memref<4xi32, #tpu.memory_space<smem>>
      memref.store %swap3A_498, %arg5[%swap3A_500] : memref<4xi32, #tpu.memory_space<smem>>
    } else {
    }
    %eq3A_145 = arith.constant 29 : i32
    %eq3A_146 = arith.cmpi eq, %add3A, %eq3A_145 : i32
    %convert_element_type3A_147 = arith.extui %eq3A_146 : i1 to i32
    %cond3A_148 = arith.constant 0 : i32
    %cond3A_149 = arith.cmpi ne, %convert_element_type3A_147, %cond3A_148 : i32
    scf.if %cond3A_149 {
      %swap3A = arith.constant 116 : i32
      %swap3A_487 = arith.constant 0 : i32
      %swap3A_488 = arith.index_cast %swap3A_487 : i32 to index
      %swap3A_489 = memref.load %arg5[%swap3A_488] : memref<4xi32, #tpu.memory_space<smem>>
      memref.store %swap3A, %arg5[%swap3A_488] : memref<4xi32, #tpu.memory_space<smem>>
      %swap3A_490 = arith.constant 117 : i32
      %swap3A_491 = arith.constant 1 : i32
      %swap3A_492 = arith.index_cast %swap3A_491 : i32 to index
      %swap3A_493 = memref.load %arg5[%swap3A_492] : memref<4xi32, #tpu.memory_space<smem>>
      memref.store %swap3A_490, %arg5[%swap3A_492] : memref<4xi32, #tpu.memory_space<smem>>
      %swap3A_494 = arith.constant 118 : i32
      %swap3A_495 = arith.constant 2 : i32
      %swap3A_496 = arith.index_cast %swap3A_495 : i32 to index
      %swap3A_497 = memref.load %arg5[%swap3A_496] : memref<4xi32, #tpu.memory_space<smem>>
      memref.store %swap3A_494, %arg5[%swap3A_496] : memref<4xi32, #tpu.memory_space<smem>>
      %swap3A_498 = arith.constant 119 : i32
      %swap3A_499 = arith.constant 3 : i32
      %swap3A_500 = arith.index_cast %swap3A_499 : i32 to index
      %swap3A_501 = memref.load %arg5[%swap3A_500] : memref<4xi32, #tpu.memory_space<smem>>
      memref.store %swap3A_498, %arg5[%swap3A_500] : memref<4xi32, #tpu.memory_space<smem>>
    } else {
    }
    %eq3A_150 = arith.constant 30 : i32
    %eq3A_151 = arith.cmpi eq, %add3A, %eq3A_150 : i32
    %convert_element_type3A_152 = arith.extui %eq3A_151 : i1 to i32
    %cond3A_153 = arith.constant 0 : i32
    %cond3A_154 = arith.cmpi ne, %convert_element_type3A_152, %cond3A_153 : i32
    scf.if %cond3A_154 {
      %swap3A = arith.constant 120 : i32
      %swap3A_487 = arith.constant 0 : i32
      %swap3A_488 = arith.index_cast %swap3A_487 : i32 to index
      %swap3A_489 = memref.load %arg5[%swap3A_488] : memref<4xi32, #tpu.memory_space<smem>>
      memref.store %swap3A, %arg5[%swap3A_488] : memref<4xi32, #tpu.memory_space<smem>>
      %swap3A_490 = arith.constant 121 : i32
      %swap3A_491 = arith.constant 1 : i32
      %swap3A_492 = arith.index_cast %swap3A_491 : i32 to index
      %swap3A_493 = memref.load %arg5[%swap3A_492] : memref<4xi32, #tpu.memory_space<smem>>
      memref.store %swap3A_490, %arg5[%swap3A_492] : memref<4xi32, #tpu.memory_space<smem>>
      %swap3A_494 = arith.constant 122 : i32
      %swap3A_495 = arith.constant 2 : i32
      %swap3A_496 = arith.index_cast %swap3A_495 : i32 to index
      %swap3A_497 = memref.load %arg5[%swap3A_496] : memref<4xi32, #tpu.memory_space<smem>>
      memref.store %swap3A_494, %arg5[%swap3A_496] : memref<4xi32, #tpu.memory_space<smem>>
      %swap3A_498 = arith.constant 123 : i32
      %swap3A_499 = arith.constant 3 : i32
      %swap3A_500 = arith.index_cast %swap3A_499 : i32 to index
      %swap3A_501 = memref.load %arg5[%swap3A_500] : memref<4xi32, #tpu.memory_space<smem>>
      memref.store %swap3A_498, %arg5[%swap3A_500] : memref<4xi32, #tpu.memory_space<smem>>
    } else {
    }
    %eq3A_155 = arith.constant 31 : i32
    %eq3A_156 = arith.cmpi eq, %add3A, %eq3A_155 : i32
    %convert_element_type3A_157 = arith.extui %eq3A_156 : i1 to i32
    %cond3A_158 = arith.constant 0 : i32
    %cond3A_159 = arith.cmpi ne, %convert_element_type3A_157, %cond3A_158 : i32
    scf.if %cond3A_159 {
      %swap3A = arith.constant 124 : i32
      %swap3A_487 = arith.constant 0 : i32
      %swap3A_488 = arith.index_cast %swap3A_487 : i32 to index
      %swap3A_489 = memref.load %arg5[%swap3A_488] : memref<4xi32, #tpu.memory_space<smem>>
      memref.store %swap3A, %arg5[%swap3A_488] : memref<4xi32, #tpu.memory_space<smem>>
      %swap3A_490 = arith.constant 125 : i32
      %swap3A_491 = arith.constant 1 : i32
      %swap3A_492 = arith.index_cast %swap3A_491 : i32 to index
      %swap3A_493 = memref.load %arg5[%swap3A_492] : memref<4xi32, #tpu.memory_space<smem>>
      memref.store %swap3A_490, %arg5[%swap3A_492] : memref<4xi32, #tpu.memory_space<smem>>
      %swap3A_494 = arith.constant 126 : i32
      %swap3A_495 = arith.constant 2 : i32
      %swap3A_496 = arith.index_cast %swap3A_495 : i32 to index
      %swap3A_497 = memref.load %arg5[%swap3A_496] : memref<4xi32, #tpu.memory_space<smem>>
      memref.store %swap3A_494, %arg5[%swap3A_496] : memref<4xi32, #tpu.memory_space<smem>>
      %swap3A_498 = arith.constant 127 : i32
      %swap3A_499 = arith.constant 3 : i32
      %swap3A_500 = arith.index_cast %swap3A_499 : i32 to index
      %swap3A_501 = memref.load %arg5[%swap3A_500] : memref<4xi32, #tpu.memory_space<smem>>
      memref.store %swap3A_498, %arg5[%swap3A_500] : memref<4xi32, #tpu.memory_space<smem>>
    } else {
    }
    %div3A = arith.constant 0 : i32
    %div3A_160 = arith.constant 40 : i32
    %div3A_161 = arith.divsi %div3A, %div3A_160 : i32
    %rem3A = arith.constant 0 : i32
    %rem3A_162 = arith.constant 40 : i32
    %rem3A_163 = arith.remsi %rem3A, %rem3A_162 : i32
    %mul3A_164 = arith.constant 4000 : i32
    %mul3A_165 = arith.muli %rem3A_163, %mul3A_164 : i32
    %get3A = arith.index_cast %div3A_161 : i32 to index
    %get3A_166 = memref.load %arg5[%get3A] : memref<4xi32, #tpu.memory_space<smem>>
    %dma_start3A = arith.constant 0 : i32
    %dma_start3A_167 = arith.constant 0 : i32
    %dma_start3A_168 = tpu.memref_slice %arg4[%dma_start3A, %dma_start3A_167] : memref<8x4000xf32, #tpu.memory_space<vmem>> -> memref<1x4000xf32, #tpu.memory_space<vmem>>
    %dma_start3A_169 = tpu.memref_squeeze %dma_start3A_168 : memref<1x4000xf32, #tpu.memory_space<vmem>> -> memref<4000xf32, #tpu.memory_space<vmem>>
    %dma_start3A_170 = tpu.memref_slice %arg2[%get3A_166, %mul3A_165] : memref<128x160000xf32, #tpu.memory_space<hbm>> -> memref<1x4000xf32, #tpu.memory_space<hbm>>
    %dma_start3A_171 = tpu.memref_squeeze %dma_start3A_170 : memref<1x4000xf32, #tpu.memory_space<hbm>> -> memref<4000xf32, #tpu.memory_space<hbm>>
    %dma_start3A_172 = arith.constant 0 : i32
    %dma_start3A_173 = tpu.memref_slice %arg4[%dma_start3A, %dma_start3A_172] : memref<8x4000xf32, #tpu.memory_space<vmem>> -> memref<1x4000xf32, #tpu.memory_space<vmem>>
    %dma_start3A_174 = tpu.memref_squeeze %dma_start3A_173 : memref<1x4000xf32, #tpu.memory_space<vmem>> -> memref<4000xf32, #tpu.memory_space<vmem>>
    %dma_start3A_175 = tpu.memref_slice %arg2[%get3A_166, %mul3A_165] : memref<128x160000xf32, #tpu.memory_space<hbm>> -> memref<1x4000xf32, #tpu.memory_space<hbm>>
    %dma_start3A_176 = tpu.memref_squeeze %dma_start3A_175 : memref<1x4000xf32, #tpu.memory_space<hbm>> -> memref<4000xf32, #tpu.memory_space<hbm>>
    tpu.enqueue_dma source(%dma_start3A_176 : memref<4000xf32, #tpu.memory_space<hbm>>) target(%dma_start3A_174 : memref<4000xf32, #tpu.memory_space<vmem>>) target_semaphore(%arg6 : memref<!tpu.dma_semaphore, #tpu.memory_space<semaphore_mem>>)
    %div3A_177 = arith.constant 1 : i32
    %div3A_178 = arith.constant 40 : i32
    %div3A_179 = arith.divsi %div3A_177, %div3A_178 : i32
    %rem3A_180 = arith.constant 1 : i32
    %rem3A_181 = arith.constant 40 : i32
    %rem3A_182 = arith.remsi %rem3A_180, %rem3A_181 : i32
    %mul3A_183 = arith.constant 4000 : i32
    %mul3A_184 = arith.muli %rem3A_182, %mul3A_183 : i32
    %get3A_185 = arith.index_cast %div3A_179 : i32 to index
    %get3A_186 = memref.load %arg5[%get3A_185] : memref<4xi32, #tpu.memory_space<smem>>
    %dma_start3A_187 = arith.constant 1 : i32
    %dma_start3A_188 = arith.constant 0 : i32
    %dma_start3A_189 = tpu.memref_slice %arg4[%dma_start3A_187, %dma_start3A_188] : memref<8x4000xf32, #tpu.memory_space<vmem>> -> memref<1x4000xf32, #tpu.memory_space<vmem>>
    %dma_start3A_190 = tpu.memref_squeeze %dma_start3A_189 : memref<1x4000xf32, #tpu.memory_space<vmem>> -> memref<4000xf32, #tpu.memory_space<vmem>>
    %dma_start3A_191 = tpu.memref_slice %arg2[%get3A_186, %mul3A_184] : memref<128x160000xf32, #tpu.memory_space<hbm>> -> memref<1x4000xf32, #tpu.memory_space<hbm>>
    %dma_start3A_192 = tpu.memref_squeeze %dma_start3A_191 : memref<1x4000xf32, #tpu.memory_space<hbm>> -> memref<4000xf32, #tpu.memory_space<hbm>>
    %dma_start3A_193 = arith.constant 0 : i32
    %dma_start3A_194 = tpu.memref_slice %arg4[%dma_start3A_187, %dma_start3A_193] : memref<8x4000xf32, #tpu.memory_space<vmem>> -> memref<1x4000xf32, #tpu.memory_space<vmem>>
    %dma_start3A_195 = tpu.memref_squeeze %dma_start3A_194 : memref<1x4000xf32, #tpu.memory_space<vmem>> -> memref<4000xf32, #tpu.memory_space<vmem>>
    %dma_start3A_196 = tpu.memref_slice %arg2[%get3A_186, %mul3A_184] : memref<128x160000xf32, #tpu.memory_space<hbm>> -> memref<1x4000xf32, #tpu.memory_space<hbm>>
    %dma_start3A_197 = tpu.memref_squeeze %dma_start3A_196 : memref<1x4000xf32, #tpu.memory_space<hbm>> -> memref<4000xf32, #tpu.memory_space<hbm>>
    tpu.enqueue_dma source(%dma_start3A_197 : memref<4000xf32, #tpu.memory_space<hbm>>) target(%dma_start3A_195 : memref<4000xf32, #tpu.memory_space<vmem>>) target_semaphore(%arg7 : memref<!tpu.dma_semaphore, #tpu.memory_space<semaphore_mem>>)
    %div3A_198 = arith.constant 2 : i32
    %div3A_199 = arith.constant 40 : i32
    %div3A_200 = arith.divsi %div3A_198, %div3A_199 : i32
    %rem3A_201 = arith.constant 2 : i32
    %rem3A_202 = arith.constant 40 : i32
    %rem3A_203 = arith.remsi %rem3A_201, %rem3A_202 : i32
    %mul3A_204 = arith.constant 4000 : i32
    %mul3A_205 = arith.muli %rem3A_203, %mul3A_204 : i32
    %get3A_206 = arith.index_cast %div3A_200 : i32 to index
    %get3A_207 = memref.load %arg5[%get3A_206] : memref<4xi32, #tpu.memory_space<smem>>
    %dma_start3A_208 = arith.constant 2 : i32
    %dma_start3A_209 = arith.constant 0 : i32
    %dma_start3A_210 = tpu.memref_slice %arg4[%dma_start3A_208, %dma_start3A_209] : memref<8x4000xf32, #tpu.memory_space<vmem>> -> memref<1x4000xf32, #tpu.memory_space<vmem>>
    %dma_start3A_211 = tpu.memref_squeeze %dma_start3A_210 : memref<1x4000xf32, #tpu.memory_space<vmem>> -> memref<4000xf32, #tpu.memory_space<vmem>>
    %dma_start3A_212 = tpu.memref_slice %arg2[%get3A_207, %mul3A_205] : memref<128x160000xf32, #tpu.memory_space<hbm>> -> memref<1x4000xf32, #tpu.memory_space<hbm>>
    %dma_start3A_213 = tpu.memref_squeeze %dma_start3A_212 : memref<1x4000xf32, #tpu.memory_space<hbm>> -> memref<4000xf32, #tpu.memory_space<hbm>>
    %dma_start3A_214 = arith.constant 0 : i32
    %dma_start3A_215 = tpu.memref_slice %arg4[%dma_start3A_208, %dma_start3A_214] : memref<8x4000xf32, #tpu.memory_space<vmem>> -> memref<1x4000xf32, #tpu.memory_space<vmem>>
    %dma_start3A_216 = tpu.memref_squeeze %dma_start3A_215 : memref<1x4000xf32, #tpu.memory_space<vmem>> -> memref<4000xf32, #tpu.memory_space<vmem>>
    %dma_start3A_217 = tpu.memref_slice %arg2[%get3A_207, %mul3A_205] : memref<128x160000xf32, #tpu.memory_space<hbm>> -> memref<1x4000xf32, #tpu.memory_space<hbm>>
    %dma_start3A_218 = tpu.memref_squeeze %dma_start3A_217 : memref<1x4000xf32, #tpu.memory_space<hbm>> -> memref<4000xf32, #tpu.memory_space<hbm>>
    tpu.enqueue_dma source(%dma_start3A_218 : memref<4000xf32, #tpu.memory_space<hbm>>) target(%dma_start3A_216 : memref<4000xf32, #tpu.memory_space<vmem>>) target_semaphore(%arg8 : memref<!tpu.dma_semaphore, #tpu.memory_space<semaphore_mem>>)
    %div3A_219 = arith.constant 3 : i32
    %div3A_220 = arith.constant 40 : i32
    %div3A_221 = arith.divsi %div3A_219, %div3A_220 : i32
    %rem3A_222 = arith.constant 3 : i32
    %rem3A_223 = arith.constant 40 : i32
    %rem3A_224 = arith.remsi %rem3A_222, %rem3A_223 : i32
    %mul3A_225 = arith.constant 4000 : i32
    %mul3A_226 = arith.muli %rem3A_224, %mul3A_225 : i32
    %get3A_227 = arith.index_cast %div3A_221 : i32 to index
    %get3A_228 = memref.load %arg5[%get3A_227] : memref<4xi32, #tpu.memory_space<smem>>
    %dma_start3A_229 = arith.constant 3 : i32
    %dma_start3A_230 = arith.constant 0 : i32
    %dma_start3A_231 = tpu.memref_slice %arg4[%dma_start3A_229, %dma_start3A_230] : memref<8x4000xf32, #tpu.memory_space<vmem>> -> memref<1x4000xf32, #tpu.memory_space<vmem>>
    %dma_start3A_232 = tpu.memref_squeeze %dma_start3A_231 : memref<1x4000xf32, #tpu.memory_space<vmem>> -> memref<4000xf32, #tpu.memory_space<vmem>>
    %dma_start3A_233 = tpu.memref_slice %arg2[%get3A_228, %mul3A_226] : memref<128x160000xf32, #tpu.memory_space<hbm>> -> memref<1x4000xf32, #tpu.memory_space<hbm>>
    %dma_start3A_234 = tpu.memref_squeeze %dma_start3A_233 : memref<1x4000xf32, #tpu.memory_space<hbm>> -> memref<4000xf32, #tpu.memory_space<hbm>>
    %dma_start3A_235 = arith.constant 0 : i32
    %dma_start3A_236 = tpu.memref_slice %arg4[%dma_start3A_229, %dma_start3A_235] : memref<8x4000xf32, #tpu.memory_space<vmem>> -> memref<1x4000xf32, #tpu.memory_space<vmem>>
    %dma_start3A_237 = tpu.memref_squeeze %dma_start3A_236 : memref<1x4000xf32, #tpu.memory_space<vmem>> -> memref<4000xf32, #tpu.memory_space<vmem>>
    %dma_start3A_238 = tpu.memref_slice %arg2[%get3A_228, %mul3A_226] : memref<128x160000xf32, #tpu.memory_space<hbm>> -> memref<1x4000xf32, #tpu.memory_space<hbm>>
    %dma_start3A_239 = tpu.memref_squeeze %dma_start3A_238 : memref<1x4000xf32, #tpu.memory_space<hbm>> -> memref<4000xf32, #tpu.memory_space<hbm>>
    tpu.enqueue_dma source(%dma_start3A_239 : memref<4000xf32, #tpu.memory_space<hbm>>) target(%dma_start3A_237 : memref<4000xf32, #tpu.memory_space<vmem>>) target_semaphore(%arg9 : memref<!tpu.dma_semaphore, #tpu.memory_space<semaphore_mem>>)
    %div3A_240 = arith.constant 4 : i32
    %div3A_241 = arith.constant 40 : i32
    %div3A_242 = arith.divsi %div3A_240, %div3A_241 : i32
    %rem3A_243 = arith.constant 4 : i32
    %rem3A_244 = arith.constant 40 : i32
    %rem3A_245 = arith.remsi %rem3A_243, %rem3A_244 : i32
    %mul3A_246 = arith.constant 4000 : i32
    %mul3A_247 = arith.muli %rem3A_245, %mul3A_246 : i32
    %get3A_248 = arith.index_cast %div3A_242 : i32 to index
    %get3A_249 = memref.load %arg5[%get3A_248] : memref<4xi32, #tpu.memory_space<smem>>
    %dma_start3A_250 = arith.constant 4 : i32
    %dma_start3A_251 = arith.constant 0 : i32
    %dma_start3A_252 = tpu.memref_slice %arg4[%dma_start3A_250, %dma_start3A_251] : memref<8x4000xf32, #tpu.memory_space<vmem>> -> memref<1x4000xf32, #tpu.memory_space<vmem>>
    %dma_start3A_253 = tpu.memref_squeeze %dma_start3A_252 : memref<1x4000xf32, #tpu.memory_space<vmem>> -> memref<4000xf32, #tpu.memory_space<vmem>>
    %dma_start3A_254 = tpu.memref_slice %arg2[%get3A_249, %mul3A_247] : memref<128x160000xf32, #tpu.memory_space<hbm>> -> memref<1x4000xf32, #tpu.memory_space<hbm>>
    %dma_start3A_255 = tpu.memref_squeeze %dma_start3A_254 : memref<1x4000xf32, #tpu.memory_space<hbm>> -> memref<4000xf32, #tpu.memory_space<hbm>>
    %dma_start3A_256 = arith.constant 0 : i32
    %dma_start3A_257 = tpu.memref_slice %arg4[%dma_start3A_250, %dma_start3A_256] : memref<8x4000xf32, #tpu.memory_space<vmem>> -> memref<1x4000xf32, #tpu.memory_space<vmem>>
    %dma_start3A_258 = tpu.memref_squeeze %dma_start3A_257 : memref<1x4000xf32, #tpu.memory_space<vmem>> -> memref<4000xf32, #tpu.memory_space<vmem>>
    %dma_start3A_259 = tpu.memref_slice %arg2[%get3A_249, %mul3A_247] : memref<128x160000xf32, #tpu.memory_space<hbm>> -> memref<1x4000xf32, #tpu.memory_space<hbm>>
    %dma_start3A_260 = tpu.memref_squeeze %dma_start3A_259 : memref<1x4000xf32, #tpu.memory_space<hbm>> -> memref<4000xf32, #tpu.memory_space<hbm>>
    tpu.enqueue_dma source(%dma_start3A_260 : memref<4000xf32, #tpu.memory_space<hbm>>) target(%dma_start3A_258 : memref<4000xf32, #tpu.memory_space<vmem>>) target_semaphore(%arg10 : memref<!tpu.dma_semaphore, #tpu.memory_space<semaphore_mem>>)
    %div3A_261 = arith.constant 5 : i32
    %div3A_262 = arith.constant 40 : i32
    %div3A_263 = arith.divsi %div3A_261, %div3A_262 : i32
    %rem3A_264 = arith.constant 5 : i32
    %rem3A_265 = arith.constant 40 : i32
    %rem3A_266 = arith.remsi %rem3A_264, %rem3A_265 : i32
    %mul3A_267 = arith.constant 4000 : i32
    %mul3A_268 = arith.muli %rem3A_266, %mul3A_267 : i32
    %get3A_269 = arith.index_cast %div3A_263 : i32 to index
    %get3A_270 = memref.load %arg5[%get3A_269] : memref<4xi32, #tpu.memory_space<smem>>
    %dma_start3A_271 = arith.constant 5 : i32
    %dma_start3A_272 = arith.constant 0 : i32
    %dma_start3A_273 = tpu.memref_slice %arg4[%dma_start3A_271, %dma_start3A_272] : memref<8x4000xf32, #tpu.memory_space<vmem>> -> memref<1x4000xf32, #tpu.memory_space<vmem>>
    %dma_start3A_274 = tpu.memref_squeeze %dma_start3A_273 : memref<1x4000xf32, #tpu.memory_space<vmem>> -> memref<4000xf32, #tpu.memory_space<vmem>>
    %dma_start3A_275 = tpu.memref_slice %arg2[%get3A_270, %mul3A_268] : memref<128x160000xf32, #tpu.memory_space<hbm>> -> memref<1x4000xf32, #tpu.memory_space<hbm>>
    %dma_start3A_276 = tpu.memref_squeeze %dma_start3A_275 : memref<1x4000xf32, #tpu.memory_space<hbm>> -> memref<4000xf32, #tpu.memory_space<hbm>>
    %dma_start3A_277 = arith.constant 0 : i32
    %dma_start3A_278 = tpu.memref_slice %arg4[%dma_start3A_271, %dma_start3A_277] : memref<8x4000xf32, #tpu.memory_space<vmem>> -> memref<1x4000xf32, #tpu.memory_space<vmem>>
    %dma_start3A_279 = tpu.memref_squeeze %dma_start3A_278 : memref<1x4000xf32, #tpu.memory_space<vmem>> -> memref<4000xf32, #tpu.memory_space<vmem>>
    %dma_start3A_280 = tpu.memref_slice %arg2[%get3A_270, %mul3A_268] : memref<128x160000xf32, #tpu.memory_space<hbm>> -> memref<1x4000xf32, #tpu.memory_space<hbm>>
    %dma_start3A_281 = tpu.memref_squeeze %dma_start3A_280 : memref<1x4000xf32, #tpu.memory_space<hbm>> -> memref<4000xf32, #tpu.memory_space<hbm>>
    tpu.enqueue_dma source(%dma_start3A_281 : memref<4000xf32, #tpu.memory_space<hbm>>) target(%dma_start3A_279 : memref<4000xf32, #tpu.memory_space<vmem>>) target_semaphore(%arg11 : memref<!tpu.dma_semaphore, #tpu.memory_space<semaphore_mem>>)
    %div3A_282 = arith.constant 6 : i32
    %div3A_283 = arith.constant 40 : i32
    %div3A_284 = arith.divsi %div3A_282, %div3A_283 : i32
    %rem3A_285 = arith.constant 6 : i32
    %rem3A_286 = arith.constant 40 : i32
    %rem3A_287 = arith.remsi %rem3A_285, %rem3A_286 : i32
    %mul3A_288 = arith.constant 4000 : i32
    %mul3A_289 = arith.muli %rem3A_287, %mul3A_288 : i32
    %get3A_290 = arith.index_cast %div3A_284 : i32 to index
    %get3A_291 = memref.load %arg5[%get3A_290] : memref<4xi32, #tpu.memory_space<smem>>
    %dma_start3A_292 = arith.constant 6 : i32
    %dma_start3A_293 = arith.constant 0 : i32
    %dma_start3A_294 = tpu.memref_slice %arg4[%dma_start3A_292, %dma_start3A_293] : memref<8x4000xf32, #tpu.memory_space<vmem>> -> memref<1x4000xf32, #tpu.memory_space<vmem>>
    %dma_start3A_295 = tpu.memref_squeeze %dma_start3A_294 : memref<1x4000xf32, #tpu.memory_space<vmem>> -> memref<4000xf32, #tpu.memory_space<vmem>>
    %dma_start3A_296 = tpu.memref_slice %arg2[%get3A_291, %mul3A_289] : memref<128x160000xf32, #tpu.memory_space<hbm>> -> memref<1x4000xf32, #tpu.memory_space<hbm>>
    %dma_start3A_297 = tpu.memref_squeeze %dma_start3A_296 : memref<1x4000xf32, #tpu.memory_space<hbm>> -> memref<4000xf32, #tpu.memory_space<hbm>>
    %dma_start3A_298 = arith.constant 0 : i32
    %dma_start3A_299 = tpu.memref_slice %arg4[%dma_start3A_292, %dma_start3A_298] : memref<8x4000xf32, #tpu.memory_space<vmem>> -> memref<1x4000xf32, #tpu.memory_space<vmem>>
    %dma_start3A_300 = tpu.memref_squeeze %dma_start3A_299 : memref<1x4000xf32, #tpu.memory_space<vmem>> -> memref<4000xf32, #tpu.memory_space<vmem>>
    %dma_start3A_301 = tpu.memref_slice %arg2[%get3A_291, %mul3A_289] : memref<128x160000xf32, #tpu.memory_space<hbm>> -> memref<1x4000xf32, #tpu.memory_space<hbm>>
    %dma_start3A_302 = tpu.memref_squeeze %dma_start3A_301 : memref<1x4000xf32, #tpu.memory_space<hbm>> -> memref<4000xf32, #tpu.memory_space<hbm>>
    tpu.enqueue_dma source(%dma_start3A_302 : memref<4000xf32, #tpu.memory_space<hbm>>) target(%dma_start3A_300 : memref<4000xf32, #tpu.memory_space<vmem>>) target_semaphore(%arg12 : memref<!tpu.dma_semaphore, #tpu.memory_space<semaphore_mem>>)
    %div3A_303 = arith.constant 7 : i32
    %div3A_304 = arith.constant 40 : i32
    %div3A_305 = arith.divsi %div3A_303, %div3A_304 : i32
    %rem3A_306 = arith.constant 7 : i32
    %rem3A_307 = arith.constant 40 : i32
    %rem3A_308 = arith.remsi %rem3A_306, %rem3A_307 : i32
    %mul3A_309 = arith.constant 4000 : i32
    %mul3A_310 = arith.muli %rem3A_308, %mul3A_309 : i32
    %get3A_311 = arith.index_cast %div3A_305 : i32 to index
    %get3A_312 = memref.load %arg5[%get3A_311] : memref<4xi32, #tpu.memory_space<smem>>
    %dma_start3A_313 = arith.constant 7 : i32
    %dma_start3A_314 = arith.constant 0 : i32
    %dma_start3A_315 = tpu.memref_slice %arg4[%dma_start3A_313, %dma_start3A_314] : memref<8x4000xf32, #tpu.memory_space<vmem>> -> memref<1x4000xf32, #tpu.memory_space<vmem>>
    %dma_start3A_316 = tpu.memref_squeeze %dma_start3A_315 : memref<1x4000xf32, #tpu.memory_space<vmem>> -> memref<4000xf32, #tpu.memory_space<vmem>>
    %dma_start3A_317 = tpu.memref_slice %arg2[%get3A_312, %mul3A_310] : memref<128x160000xf32, #tpu.memory_space<hbm>> -> memref<1x4000xf32, #tpu.memory_space<hbm>>
    %dma_start3A_318 = tpu.memref_squeeze %dma_start3A_317 : memref<1x4000xf32, #tpu.memory_space<hbm>> -> memref<4000xf32, #tpu.memory_space<hbm>>
    %dma_start3A_319 = arith.constant 0 : i32
    %dma_start3A_320 = tpu.memref_slice %arg4[%dma_start3A_313, %dma_start3A_319] : memref<8x4000xf32, #tpu.memory_space<vmem>> -> memref<1x4000xf32, #tpu.memory_space<vmem>>
    %dma_start3A_321 = tpu.memref_squeeze %dma_start3A_320 : memref<1x4000xf32, #tpu.memory_space<vmem>> -> memref<4000xf32, #tpu.memory_space<vmem>>
    %dma_start3A_322 = tpu.memref_slice %arg2[%get3A_312, %mul3A_310] : memref<128x160000xf32, #tpu.memory_space<hbm>> -> memref<1x4000xf32, #tpu.memory_space<hbm>>
    %dma_start3A_323 = tpu.memref_squeeze %dma_start3A_322 : memref<1x4000xf32, #tpu.memory_space<hbm>> -> memref<4000xf32, #tpu.memory_space<hbm>>
    tpu.enqueue_dma source(%dma_start3A_323 : memref<4000xf32, #tpu.memory_space<hbm>>) target(%dma_start3A_321 : memref<4000xf32, #tpu.memory_space<vmem>>) target_semaphore(%arg13 : memref<!tpu.dma_semaphore, #tpu.memory_space<semaphore_mem>>)
    %scan3A = arith.constant 0 : i32
    %scan3A_324 = arith.constant 20 : i32
    %scan3A_325 = arith.addi %scan3A, %scan3A_324 : i32
    %scan3A_326 = arith.constant 1 : i32
    scf.for %scan3A_487 = %scan3A to %scan3A_325 step %scan3A_326  : i32 {
      %mul3A_488 = arith.constant 8 : i32
      %mul3A_489 = arith.muli %scan3A_487, %mul3A_488 : i32
      %add3A_490 = arith.constant 0 : i32
      %add3A_491 = arith.addi %add3A_490, %mul3A_489 : i32
      %add3A_492 = arith.constant 0 : i32
      %add3A_493 = arith.addi %add3A_491, %add3A_492 : i32
      %div3A_494 = arith.constant 40 : i32
      %div3A_495 = arith.divsi %add3A_493, %div3A_494 : i32
      %rem3A_496 = arith.constant 40 : i32
      %rem3A_497 = arith.remsi %add3A_493, %rem3A_496 : i32
      %mul3A_498 = arith.constant 4000 : i32
      %mul3A_499 = arith.muli %rem3A_497, %mul3A_498 : i32
      %get3A_500 = arith.index_cast %div3A_495 : i32 to index
      %get3A_501 = memref.load %arg5[%get3A_500] : memref<4xi32, #tpu.memory_space<smem>>
      %dma_wait3A_502 = arith.constant 0 : i32
      %dma_wait3A_503 = arith.constant 0 : i32
      %dma_wait3A_504 = tpu.memref_slice %arg4[%dma_wait3A_502, %dma_wait3A_503] : memref<8x4000xf32, #tpu.memory_space<vmem>> -> memref<1x4000xf32, #tpu.memory_space<vmem>>
      %dma_wait3A_505 = tpu.memref_squeeze %dma_wait3A_504 : memref<1x4000xf32, #tpu.memory_space<vmem>> -> memref<4000xf32, #tpu.memory_space<vmem>>
      %dma_wait3A_506 = tpu.memref_slice %arg2[%get3A_501, %mul3A_499] : memref<128x160000xf32, #tpu.memory_space<hbm>> -> memref<1x4000xf32, #tpu.memory_space<hbm>>
      %dma_wait3A_507 = tpu.memref_squeeze %dma_wait3A_506 : memref<1x4000xf32, #tpu.memory_space<hbm>> -> memref<4000xf32, #tpu.memory_space<hbm>>
      %dma_wait3A_508 = arith.constant 0 : i32
      %dma_wait3A_509 = tpu.memref_slice %arg4[%dma_wait3A_502, %dma_wait3A_508] : memref<8x4000xf32, #tpu.memory_space<vmem>> -> memref<1x4000xf32, #tpu.memory_space<vmem>>
      %dma_wait3A_510 = tpu.memref_squeeze %dma_wait3A_509 : memref<1x4000xf32, #tpu.memory_space<vmem>> -> memref<4000xf32, #tpu.memory_space<vmem>>
      %dma_wait3A_511 = tpu.memref_slice %arg2[%get3A_501, %mul3A_499] : memref<128x160000xf32, #tpu.memory_space<hbm>> -> memref<1x4000xf32, #tpu.memory_space<hbm>>
      %dma_wait3A_512 = tpu.memref_squeeze %dma_wait3A_511 : memref<1x4000xf32, #tpu.memory_space<hbm>> -> memref<4000xf32, #tpu.memory_space<hbm>>
      tpu.wait_dma2 semaphore(%arg6 : memref<!tpu.dma_semaphore, #tpu.memory_space<semaphore_mem>>) src(%dma_wait3A_512 : memref<4000xf32, #tpu.memory_space<hbm>>) dst(%dma_wait3A_510 : memref<4000xf32, #tpu.memory_space<vmem>>)
      %div3A_513 = arith.constant 40 : i32
      %div3A_514 = arith.divsi %add3A_493, %div3A_513 : i32
      %rem3A_515 = arith.constant 40 : i32
      %rem3A_516 = arith.remsi %add3A_493, %rem3A_515 : i32
      %mul3A_517 = arith.constant 4000 : i32
      %mul3A_518 = arith.muli %rem3A_516, %mul3A_517 : i32
      %add3A_519 = arith.addi %mul3A_2, %div3A_514 : i32
      %dma_start3A_520 = arith.constant 0 : i32
      %dma_start3A_521 = arith.constant 0 : i32
      %dma_start3A_522 = tpu.memref_slice %arg4[%dma_start3A_520, %dma_start3A_521] : memref<8x4000xf32, #tpu.memory_space<vmem>> -> memref<1x4000xf32, #tpu.memory_space<vmem>>
      %dma_start3A_523 = tpu.memref_squeeze %dma_start3A_522 : memref<1x4000xf32, #tpu.memory_space<vmem>> -> memref<4000xf32, #tpu.memory_space<vmem>>
      %dma_start3A_524 = tpu.memref_slice %arg3[%add3A_519, %mul3A_518] : memref<128x160000xf32, #tpu.memory_space<hbm>> -> memref<1x4000xf32, #tpu.memory_space<hbm>>
      %dma_start3A_525 = tpu.memref_squeeze %dma_start3A_524 : memref<1x4000xf32, #tpu.memory_space<hbm>> -> memref<4000xf32, #tpu.memory_space<hbm>>
      %dma_start3A_526 = tpu.memref_slice %arg3[%add3A_519, %mul3A_518] : memref<128x160000xf32, #tpu.memory_space<hbm>> -> memref<1x4000xf32, #tpu.memory_space<hbm>>
      %dma_start3A_527 = tpu.memref_squeeze %dma_start3A_526 : memref<1x4000xf32, #tpu.memory_space<hbm>> -> memref<4000xf32, #tpu.memory_space<hbm>>
      %dma_start3A_528 = arith.constant 0 : i32
      %dma_start3A_529 = tpu.memref_slice %arg4[%dma_start3A_520, %dma_start3A_528] : memref<8x4000xf32, #tpu.memory_space<vmem>> -> memref<1x4000xf32, #tpu.memory_space<vmem>>
      %dma_start3A_530 = tpu.memref_squeeze %dma_start3A_529 : memref<1x4000xf32, #tpu.memory_space<vmem>> -> memref<4000xf32, #tpu.memory_space<vmem>>
      tpu.enqueue_dma source(%dma_start3A_530 : memref<4000xf32, #tpu.memory_space<vmem>>) target(%dma_start3A_527 : memref<4000xf32, #tpu.memory_space<hbm>>) target_semaphore(%arg14 : memref<!tpu.dma_semaphore, #tpu.memory_space<semaphore_mem>>)
      %add3A_531 = arith.constant 1 : i32
      %add3A_532 = arith.addi %add3A_491, %add3A_531 : i32
      %div3A_533 = arith.constant 40 : i32
      %div3A_534 = arith.divsi %add3A_532, %div3A_533 : i32
      %rem3A_535 = arith.constant 40 : i32
      %rem3A_536 = arith.remsi %add3A_532, %rem3A_535 : i32
      %mul3A_537 = arith.constant 4000 : i32
      %mul3A_538 = arith.muli %rem3A_536, %mul3A_537 : i32
      %get3A_539 = arith.index_cast %div3A_534 : i32 to index
      %get3A_540 = memref.load %arg5[%get3A_539] : memref<4xi32, #tpu.memory_space<smem>>
      %dma_wait3A_541 = arith.constant 1 : i32
      %dma_wait3A_542 = arith.constant 0 : i32
      %dma_wait3A_543 = tpu.memref_slice %arg4[%dma_wait3A_541, %dma_wait3A_542] : memref<8x4000xf32, #tpu.memory_space<vmem>> -> memref<1x4000xf32, #tpu.memory_space<vmem>>
      %dma_wait3A_544 = tpu.memref_squeeze %dma_wait3A_543 : memref<1x4000xf32, #tpu.memory_space<vmem>> -> memref<4000xf32, #tpu.memory_space<vmem>>
      %dma_wait3A_545 = tpu.memref_slice %arg2[%get3A_540, %mul3A_538] : memref<128x160000xf32, #tpu.memory_space<hbm>> -> memref<1x4000xf32, #tpu.memory_space<hbm>>
      %dma_wait3A_546 = tpu.memref_squeeze %dma_wait3A_545 : memref<1x4000xf32, #tpu.memory_space<hbm>> -> memref<4000xf32, #tpu.memory_space<hbm>>
      %dma_wait3A_547 = arith.constant 0 : i32
      %dma_wait3A_548 = tpu.memref_slice %arg4[%dma_wait3A_541, %dma_wait3A_547] : memref<8x4000xf32, #tpu.memory_space<vmem>> -> memref<1x4000xf32, #tpu.memory_space<vmem>>
      %dma_wait3A_549 = tpu.memref_squeeze %dma_wait3A_548 : memref<1x4000xf32, #tpu.memory_space<vmem>> -> memref<4000xf32, #tpu.memory_space<vmem>>
      %dma_wait3A_550 = tpu.memref_slice %arg2[%get3A_540, %mul3A_538] : memref<128x160000xf32, #tpu.memory_space<hbm>> -> memref<1x4000xf32, #tpu.memory_space<hbm>>
      %dma_wait3A_551 = tpu.memref_squeeze %dma_wait3A_550 : memref<1x4000xf32, #tpu.memory_space<hbm>> -> memref<4000xf32, #tpu.memory_space<hbm>>
      tpu.wait_dma2 semaphore(%arg7 : memref<!tpu.dma_semaphore, #tpu.memory_space<semaphore_mem>>) src(%dma_wait3A_551 : memref<4000xf32, #tpu.memory_space<hbm>>) dst(%dma_wait3A_549 : memref<4000xf32, #tpu.memory_space<vmem>>)
      %div3A_552 = arith.constant 40 : i32
      %div3A_553 = arith.divsi %add3A_532, %div3A_552 : i32
      %rem3A_554 = arith.constant 40 : i32
      %rem3A_555 = arith.remsi %add3A_532, %rem3A_554 : i32
      %mul3A_556 = arith.constant 4000 : i32
      %mul3A_557 = arith.muli %rem3A_555, %mul3A_556 : i32
      %add3A_558 = arith.addi %mul3A_2, %div3A_553 : i32
      %dma_start3A_559 = arith.constant 1 : i32
      %dma_start3A_560 = arith.constant 0 : i32
      %dma_start3A_561 = tpu.memref_slice %arg4[%dma_start3A_559, %dma_start3A_560] : memref<8x4000xf32, #tpu.memory_space<vmem>> -> memref<1x4000xf32, #tpu.memory_space<vmem>>
      %dma_start3A_562 = tpu.memref_squeeze %dma_start3A_561 : memref<1x4000xf32, #tpu.memory_space<vmem>> -> memref<4000xf32, #tpu.memory_space<vmem>>
      %dma_start3A_563 = tpu.memref_slice %arg3[%add3A_558, %mul3A_557] : memref<128x160000xf32, #tpu.memory_space<hbm>> -> memref<1x4000xf32, #tpu.memory_space<hbm>>
      %dma_start3A_564 = tpu.memref_squeeze %dma_start3A_563 : memref<1x4000xf32, #tpu.memory_space<hbm>> -> memref<4000xf32, #tpu.memory_space<hbm>>
      %dma_start3A_565 = tpu.memref_slice %arg3[%add3A_558, %mul3A_557] : memref<128x160000xf32, #tpu.memory_space<hbm>> -> memref<1x4000xf32, #tpu.memory_space<hbm>>
      %dma_start3A_566 = tpu.memref_squeeze %dma_start3A_565 : memref<1x4000xf32, #tpu.memory_space<hbm>> -> memref<4000xf32, #tpu.memory_space<hbm>>
      %dma_start3A_567 = arith.constant 0 : i32
      %dma_start3A_568 = tpu.memref_slice %arg4[%dma_start3A_559, %dma_start3A_567] : memref<8x4000xf32, #tpu.memory_space<vmem>> -> memref<1x4000xf32, #tpu.memory_space<vmem>>
      %dma_start3A_569 = tpu.memref_squeeze %dma_start3A_568 : memref<1x4000xf32, #tpu.memory_space<vmem>> -> memref<4000xf32, #tpu.memory_space<vmem>>
      tpu.enqueue_dma source(%dma_start3A_569 : memref<4000xf32, #tpu.memory_space<vmem>>) target(%dma_start3A_566 : memref<4000xf32, #tpu.memory_space<hbm>>) target_semaphore(%arg15 : memref<!tpu.dma_semaphore, #tpu.memory_space<semaphore_mem>>)
      %add3A_570 = arith.constant 2 : i32
      %add3A_571 = arith.addi %add3A_491, %add3A_570 : i32
      %div3A_572 = arith.constant 40 : i32
      %div3A_573 = arith.divsi %add3A_571, %div3A_572 : i32
      %rem3A_574 = arith.constant 40 : i32
      %rem3A_575 = arith.remsi %add3A_571, %rem3A_574 : i32
      %mul3A_576 = arith.constant 4000 : i32
      %mul3A_577 = arith.muli %rem3A_575, %mul3A_576 : i32
      %get3A_578 = arith.index_cast %div3A_573 : i32 to index
      %get3A_579 = memref.load %arg5[%get3A_578] : memref<4xi32, #tpu.memory_space<smem>>
      %dma_wait3A_580 = arith.constant 2 : i32
      %dma_wait3A_581 = arith.constant 0 : i32
      %dma_wait3A_582 = tpu.memref_slice %arg4[%dma_wait3A_580, %dma_wait3A_581] : memref<8x4000xf32, #tpu.memory_space<vmem>> -> memref<1x4000xf32, #tpu.memory_space<vmem>>
      %dma_wait3A_583 = tpu.memref_squeeze %dma_wait3A_582 : memref<1x4000xf32, #tpu.memory_space<vmem>> -> memref<4000xf32, #tpu.memory_space<vmem>>
      %dma_wait3A_584 = tpu.memref_slice %arg2[%get3A_579, %mul3A_577] : memref<128x160000xf32, #tpu.memory_space<hbm>> -> memref<1x4000xf32, #tpu.memory_space<hbm>>
      %dma_wait3A_585 = tpu.memref_squeeze %dma_wait3A_584 : memref<1x4000xf32, #tpu.memory_space<hbm>> -> memref<4000xf32, #tpu.memory_space<hbm>>
      %dma_wait3A_586 = arith.constant 0 : i32
      %dma_wait3A_587 = tpu.memref_slice %arg4[%dma_wait3A_580, %dma_wait3A_586] : memref<8x4000xf32, #tpu.memory_space<vmem>> -> memref<1x4000xf32, #tpu.memory_space<vmem>>
      %dma_wait3A_588 = tpu.memref_squeeze %dma_wait3A_587 : memref<1x4000xf32, #tpu.memory_space<vmem>> -> memref<4000xf32, #tpu.memory_space<vmem>>
      %dma_wait3A_589 = tpu.memref_slice %arg2[%get3A_579, %mul3A_577] : memref<128x160000xf32, #tpu.memory_space<hbm>> -> memref<1x4000xf32, #tpu.memory_space<hbm>>
      %dma_wait3A_590 = tpu.memref_squeeze %dma_wait3A_589 : memref<1x4000xf32, #tpu.memory_space<hbm>> -> memref<4000xf32, #tpu.memory_space<hbm>>
      tpu.wait_dma2 semaphore(%arg8 : memref<!tpu.dma_semaphore, #tpu.memory_space<semaphore_mem>>) src(%dma_wait3A_590 : memref<4000xf32, #tpu.memory_space<hbm>>) dst(%dma_wait3A_588 : memref<4000xf32, #tpu.memory_space<vmem>>)
      %div3A_591 = arith.constant 40 : i32
      %div3A_592 = arith.divsi %add3A_571, %div3A_591 : i32
      %rem3A_593 = arith.constant 40 : i32
      %rem3A_594 = arith.remsi %add3A_571, %rem3A_593 : i32
      %mul3A_595 = arith.constant 4000 : i32
      %mul3A_596 = arith.muli %rem3A_594, %mul3A_595 : i32
      %add3A_597 = arith.addi %mul3A_2, %div3A_592 : i32
      %dma_start3A_598 = arith.constant 2 : i32
      %dma_start3A_599 = arith.constant 0 : i32
      %dma_start3A_600 = tpu.memref_slice %arg4[%dma_start3A_598, %dma_start3A_599] : memref<8x4000xf32, #tpu.memory_space<vmem>> -> memref<1x4000xf32, #tpu.memory_space<vmem>>
      %dma_start3A_601 = tpu.memref_squeeze %dma_start3A_600 : memref<1x4000xf32, #tpu.memory_space<vmem>> -> memref<4000xf32, #tpu.memory_space<vmem>>
      %dma_start3A_602 = tpu.memref_slice %arg3[%add3A_597, %mul3A_596] : memref<128x160000xf32, #tpu.memory_space<hbm>> -> memref<1x4000xf32, #tpu.memory_space<hbm>>
      %dma_start3A_603 = tpu.memref_squeeze %dma_start3A_602 : memref<1x4000xf32, #tpu.memory_space<hbm>> -> memref<4000xf32, #tpu.memory_space<hbm>>
      %dma_start3A_604 = tpu.memref_slice %arg3[%add3A_597, %mul3A_596] : memref<128x160000xf32, #tpu.memory_space<hbm>> -> memref<1x4000xf32, #tpu.memory_space<hbm>>
      %dma_start3A_605 = tpu.memref_squeeze %dma_start3A_604 : memref<1x4000xf32, #tpu.memory_space<hbm>> -> memref<4000xf32, #tpu.memory_space<hbm>>
      %dma_start3A_606 = arith.constant 0 : i32
      %dma_start3A_607 = tpu.memref_slice %arg4[%dma_start3A_598, %dma_start3A_606] : memref<8x4000xf32, #tpu.memory_space<vmem>> -> memref<1x4000xf32, #tpu.memory_space<vmem>>
      %dma_start3A_608 = tpu.memref_squeeze %dma_start3A_607 : memref<1x4000xf32, #tpu.memory_space<vmem>> -> memref<4000xf32, #tpu.memory_space<vmem>>
      tpu.enqueue_dma source(%dma_start3A_608 : memref<4000xf32, #tpu.memory_space<vmem>>) target(%dma_start3A_605 : memref<4000xf32, #tpu.memory_space<hbm>>) target_semaphore(%arg16 : memref<!tpu.dma_semaphore, #tpu.memory_space<semaphore_mem>>)
      %add3A_609 = arith.constant 3 : i32
      %add3A_610 = arith.addi %add3A_491, %add3A_609 : i32
      %div3A_611 = arith.constant 40 : i32
      %div3A_612 = arith.divsi %add3A_610, %div3A_611 : i32
      %rem3A_613 = arith.constant 40 : i32
      %rem3A_614 = arith.remsi %add3A_610, %rem3A_613 : i32
      %mul3A_615 = arith.constant 4000 : i32
      %mul3A_616 = arith.muli %rem3A_614, %mul3A_615 : i32
      %get3A_617 = arith.index_cast %div3A_612 : i32 to index
      %get3A_618 = memref.load %arg5[%get3A_617] : memref<4xi32, #tpu.memory_space<smem>>
      %dma_wait3A_619 = arith.constant 3 : i32
      %dma_wait3A_620 = arith.constant 0 : i32
      %dma_wait3A_621 = tpu.memref_slice %arg4[%dma_wait3A_619, %dma_wait3A_620] : memref<8x4000xf32, #tpu.memory_space<vmem>> -> memref<1x4000xf32, #tpu.memory_space<vmem>>
      %dma_wait3A_622 = tpu.memref_squeeze %dma_wait3A_621 : memref<1x4000xf32, #tpu.memory_space<vmem>> -> memref<4000xf32, #tpu.memory_space<vmem>>
      %dma_wait3A_623 = tpu.memref_slice %arg2[%get3A_618, %mul3A_616] : memref<128x160000xf32, #tpu.memory_space<hbm>> -> memref<1x4000xf32, #tpu.memory_space<hbm>>
      %dma_wait3A_624 = tpu.memref_squeeze %dma_wait3A_623 : memref<1x4000xf32, #tpu.memory_space<hbm>> -> memref<4000xf32, #tpu.memory_space<hbm>>
      %dma_wait3A_625 = arith.constant 0 : i32
      %dma_wait3A_626 = tpu.memref_slice %arg4[%dma_wait3A_619, %dma_wait3A_625] : memref<8x4000xf32, #tpu.memory_space<vmem>> -> memref<1x4000xf32, #tpu.memory_space<vmem>>
      %dma_wait3A_627 = tpu.memref_squeeze %dma_wait3A_626 : memref<1x4000xf32, #tpu.memory_space<vmem>> -> memref<4000xf32, #tpu.memory_space<vmem>>
      %dma_wait3A_628 = tpu.memref_slice %arg2[%get3A_618, %mul3A_616] : memref<128x160000xf32, #tpu.memory_space<hbm>> -> memref<1x4000xf32, #tpu.memory_space<hbm>>
      %dma_wait3A_629 = tpu.memref_squeeze %dma_wait3A_628 : memref<1x4000xf32, #tpu.memory_space<hbm>> -> memref<4000xf32, #tpu.memory_space<hbm>>
      tpu.wait_dma2 semaphore(%arg9 : memref<!tpu.dma_semaphore, #tpu.memory_space<semaphore_mem>>) src(%dma_wait3A_629 : memref<4000xf32, #tpu.memory_space<hbm>>) dst(%dma_wait3A_627 : memref<4000xf32, #tpu.memory_space<vmem>>)
      %div3A_630 = arith.constant 40 : i32
      %div3A_631 = arith.divsi %add3A_610, %div3A_630 : i32
      %rem3A_632 = arith.constant 40 : i32
      %rem3A_633 = arith.remsi %add3A_610, %rem3A_632 : i32
      %mul3A_634 = arith.constant 4000 : i32
      %mul3A_635 = arith.muli %rem3A_633, %mul3A_634 : i32
      %add3A_636 = arith.addi %mul3A_2, %div3A_631 : i32
      %dma_start3A_637 = arith.constant 3 : i32
      %dma_start3A_638 = arith.constant 0 : i32
      %dma_start3A_639 = tpu.memref_slice %arg4[%dma_start3A_637, %dma_start3A_638] : memref<8x4000xf32, #tpu.memory_space<vmem>> -> memref<1x4000xf32, #tpu.memory_space<vmem>>
      %dma_start3A_640 = tpu.memref_squeeze %dma_start3A_639 : memref<1x4000xf32, #tpu.memory_space<vmem>> -> memref<4000xf32, #tpu.memory_space<vmem>>
      %dma_start3A_641 = tpu.memref_slice %arg3[%add3A_636, %mul3A_635] : memref<128x160000xf32, #tpu.memory_space<hbm>> -> memref<1x4000xf32, #tpu.memory_space<hbm>>
      %dma_start3A_642 = tpu.memref_squeeze %dma_start3A_641 : memref<1x4000xf32, #tpu.memory_space<hbm>> -> memref<4000xf32, #tpu.memory_space<hbm>>
      %dma_start3A_643 = tpu.memref_slice %arg3[%add3A_636, %mul3A_635] : memref<128x160000xf32, #tpu.memory_space<hbm>> -> memref<1x4000xf32, #tpu.memory_space<hbm>>
      %dma_start3A_644 = tpu.memref_squeeze %dma_start3A_643 : memref<1x4000xf32, #tpu.memory_space<hbm>> -> memref<4000xf32, #tpu.memory_space<hbm>>
      %dma_start3A_645 = arith.constant 0 : i32
      %dma_start3A_646 = tpu.memref_slice %arg4[%dma_start3A_637, %dma_start3A_645] : memref<8x4000xf32, #tpu.memory_space<vmem>> -> memref<1x4000xf32, #tpu.memory_space<vmem>>
      %dma_start3A_647 = tpu.memref_squeeze %dma_start3A_646 : memref<1x4000xf32, #tpu.memory_space<vmem>> -> memref<4000xf32, #tpu.memory_space<vmem>>
      tpu.enqueue_dma source(%dma_start3A_647 : memref<4000xf32, #tpu.memory_space<vmem>>) target(%dma_start3A_644 : memref<4000xf32, #tpu.memory_space<hbm>>) target_semaphore(%arg17 : memref<!tpu.dma_semaphore, #tpu.memory_space<semaphore_mem>>)
      %add3A_648 = arith.constant 4 : i32
      %add3A_649 = arith.addi %add3A_491, %add3A_648 : i32
      %div3A_650 = arith.constant 40 : i32
      %div3A_651 = arith.divsi %add3A_649, %div3A_650 : i32
      %rem3A_652 = arith.constant 40 : i32
      %rem3A_653 = arith.remsi %add3A_649, %rem3A_652 : i32
      %mul3A_654 = arith.constant 4000 : i32
      %mul3A_655 = arith.muli %rem3A_653, %mul3A_654 : i32
      %get3A_656 = arith.index_cast %div3A_651 : i32 to index
      %get3A_657 = memref.load %arg5[%get3A_656] : memref<4xi32, #tpu.memory_space<smem>>
      %dma_wait3A_658 = arith.constant 4 : i32
      %dma_wait3A_659 = arith.constant 0 : i32
      %dma_wait3A_660 = tpu.memref_slice %arg4[%dma_wait3A_658, %dma_wait3A_659] : memref<8x4000xf32, #tpu.memory_space<vmem>> -> memref<1x4000xf32, #tpu.memory_space<vmem>>
      %dma_wait3A_661 = tpu.memref_squeeze %dma_wait3A_660 : memref<1x4000xf32, #tpu.memory_space<vmem>> -> memref<4000xf32, #tpu.memory_space<vmem>>
      %dma_wait3A_662 = tpu.memref_slice %arg2[%get3A_657, %mul3A_655] : memref<128x160000xf32, #tpu.memory_space<hbm>> -> memref<1x4000xf32, #tpu.memory_space<hbm>>
      %dma_wait3A_663 = tpu.memref_squeeze %dma_wait3A_662 : memref<1x4000xf32, #tpu.memory_space<hbm>> -> memref<4000xf32, #tpu.memory_space<hbm>>
      %dma_wait3A_664 = arith.constant 0 : i32
      %dma_wait3A_665 = tpu.memref_slice %arg4[%dma_wait3A_658, %dma_wait3A_664] : memref<8x4000xf32, #tpu.memory_space<vmem>> -> memref<1x4000xf32, #tpu.memory_space<vmem>>
      %dma_wait3A_666 = tpu.memref_squeeze %dma_wait3A_665 : memref<1x4000xf32, #tpu.memory_space<vmem>> -> memref<4000xf32, #tpu.memory_space<vmem>>
      %dma_wait3A_667 = tpu.memref_slice %arg2[%get3A_657, %mul3A_655] : memref<128x160000xf32, #tpu.memory_space<hbm>> -> memref<1x4000xf32, #tpu.memory_space<hbm>>
      %dma_wait3A_668 = tpu.memref_squeeze %dma_wait3A_667 : memref<1x4000xf32, #tpu.memory_space<hbm>> -> memref<4000xf32, #tpu.memory_space<hbm>>
      tpu.wait_dma2 semaphore(%arg10 : memref<!tpu.dma_semaphore, #tpu.memory_space<semaphore_mem>>) src(%dma_wait3A_668 : memref<4000xf32, #tpu.memory_space<hbm>>) dst(%dma_wait3A_666 : memref<4000xf32, #tpu.memory_space<vmem>>)
      %div3A_669 = arith.constant 40 : i32
      %div3A_670 = arith.divsi %add3A_649, %div3A_669 : i32
      %rem3A_671 = arith.constant 40 : i32
      %rem3A_672 = arith.remsi %add3A_649, %rem3A_671 : i32
      %mul3A_673 = arith.constant 4000 : i32
      %mul3A_674 = arith.muli %rem3A_672, %mul3A_673 : i32
      %add3A_675 = arith.addi %mul3A_2, %div3A_670 : i32
      %dma_start3A_676 = arith.constant 4 : i32
      %dma_start3A_677 = arith.constant 0 : i32
      %dma_start3A_678 = tpu.memref_slice %arg4[%dma_start3A_676, %dma_start3A_677] : memref<8x4000xf32, #tpu.memory_space<vmem>> -> memref<1x4000xf32, #tpu.memory_space<vmem>>
      %dma_start3A_679 = tpu.memref_squeeze %dma_start3A_678 : memref<1x4000xf32, #tpu.memory_space<vmem>> -> memref<4000xf32, #tpu.memory_space<vmem>>
      %dma_start3A_680 = tpu.memref_slice %arg3[%add3A_675, %mul3A_674] : memref<128x160000xf32, #tpu.memory_space<hbm>> -> memref<1x4000xf32, #tpu.memory_space<hbm>>
      %dma_start3A_681 = tpu.memref_squeeze %dma_start3A_680 : memref<1x4000xf32, #tpu.memory_space<hbm>> -> memref<4000xf32, #tpu.memory_space<hbm>>
      %dma_start3A_682 = tpu.memref_slice %arg3[%add3A_675, %mul3A_674] : memref<128x160000xf32, #tpu.memory_space<hbm>> -> memref<1x4000xf32, #tpu.memory_space<hbm>>
      %dma_start3A_683 = tpu.memref_squeeze %dma_start3A_682 : memref<1x4000xf32, #tpu.memory_space<hbm>> -> memref<4000xf32, #tpu.memory_space<hbm>>
      %dma_start3A_684 = arith.constant 0 : i32
      %dma_start3A_685 = tpu.memref_slice %arg4[%dma_start3A_676, %dma_start3A_684] : memref<8x4000xf32, #tpu.memory_space<vmem>> -> memref<1x4000xf32, #tpu.memory_space<vmem>>
      %dma_start3A_686 = tpu.memref_squeeze %dma_start3A_685 : memref<1x4000xf32, #tpu.memory_space<vmem>> -> memref<4000xf32, #tpu.memory_space<vmem>>
      tpu.enqueue_dma source(%dma_start3A_686 : memref<4000xf32, #tpu.memory_space<vmem>>) target(%dma_start3A_683 : memref<4000xf32, #tpu.memory_space<hbm>>) target_semaphore(%arg18 : memref<!tpu.dma_semaphore, #tpu.memory_space<semaphore_mem>>)
      %add3A_687 = arith.constant 5 : i32
      %add3A_688 = arith.addi %add3A_491, %add3A_687 : i32
      %div3A_689 = arith.constant 40 : i32
      %div3A_690 = arith.divsi %add3A_688, %div3A_689 : i32
      %rem3A_691 = arith.constant 40 : i32
      %rem3A_692 = arith.remsi %add3A_688, %rem3A_691 : i32
      %mul3A_693 = arith.constant 4000 : i32
      %mul3A_694 = arith.muli %rem3A_692, %mul3A_693 : i32
      %get3A_695 = arith.index_cast %div3A_690 : i32 to index
      %get3A_696 = memref.load %arg5[%get3A_695] : memref<4xi32, #tpu.memory_space<smem>>
      %dma_wait3A_697 = arith.constant 5 : i32
      %dma_wait3A_698 = arith.constant 0 : i32
      %dma_wait3A_699 = tpu.memref_slice %arg4[%dma_wait3A_697, %dma_wait3A_698] : memref<8x4000xf32, #tpu.memory_space<vmem>> -> memref<1x4000xf32, #tpu.memory_space<vmem>>
      %dma_wait3A_700 = tpu.memref_squeeze %dma_wait3A_699 : memref<1x4000xf32, #tpu.memory_space<vmem>> -> memref<4000xf32, #tpu.memory_space<vmem>>
      %dma_wait3A_701 = tpu.memref_slice %arg2[%get3A_696, %mul3A_694] : memref<128x160000xf32, #tpu.memory_space<hbm>> -> memref<1x4000xf32, #tpu.memory_space<hbm>>
      %dma_wait3A_702 = tpu.memref_squeeze %dma_wait3A_701 : memref<1x4000xf32, #tpu.memory_space<hbm>> -> memref<4000xf32, #tpu.memory_space<hbm>>
      %dma_wait3A_703 = arith.constant 0 : i32
      %dma_wait3A_704 = tpu.memref_slice %arg4[%dma_wait3A_697, %dma_wait3A_703] : memref<8x4000xf32, #tpu.memory_space<vmem>> -> memref<1x4000xf32, #tpu.memory_space<vmem>>
      %dma_wait3A_705 = tpu.memref_squeeze %dma_wait3A_704 : memref<1x4000xf32, #tpu.memory_space<vmem>> -> memref<4000xf32, #tpu.memory_space<vmem>>
      %dma_wait3A_706 = tpu.memref_slice %arg2[%get3A_696, %mul3A_694] : memref<128x160000xf32, #tpu.memory_space<hbm>> -> memref<1x4000xf32, #tpu.memory_space<hbm>>
      %dma_wait3A_707 = tpu.memref_squeeze %dma_wait3A_706 : memref<1x4000xf32, #tpu.memory_space<hbm>> -> memref<4000xf32, #tpu.memory_space<hbm>>
      tpu.wait_dma2 semaphore(%arg11 : memref<!tpu.dma_semaphore, #tpu.memory_space<semaphore_mem>>) src(%dma_wait3A_707 : memref<4000xf32, #tpu.memory_space<hbm>>) dst(%dma_wait3A_705 : memref<4000xf32, #tpu.memory_space<vmem>>)
      %div3A_708 = arith.constant 40 : i32
      %div3A_709 = arith.divsi %add3A_688, %div3A_708 : i32
      %rem3A_710 = arith.constant 40 : i32
      %rem3A_711 = arith.remsi %add3A_688, %rem3A_710 : i32
      %mul3A_712 = arith.constant 4000 : i32
      %mul3A_713 = arith.muli %rem3A_711, %mul3A_712 : i32
      %add3A_714 = arith.addi %mul3A_2, %div3A_709 : i32
      %dma_start3A_715 = arith.constant 5 : i32
      %dma_start3A_716 = arith.constant 0 : i32
      %dma_start3A_717 = tpu.memref_slice %arg4[%dma_start3A_715, %dma_start3A_716] : memref<8x4000xf32, #tpu.memory_space<vmem>> -> memref<1x4000xf32, #tpu.memory_space<vmem>>
      %dma_start3A_718 = tpu.memref_squeeze %dma_start3A_717 : memref<1x4000xf32, #tpu.memory_space<vmem>> -> memref<4000xf32, #tpu.memory_space<vmem>>
      %dma_start3A_719 = tpu.memref_slice %arg3[%add3A_714, %mul3A_713] : memref<128x160000xf32, #tpu.memory_space<hbm>> -> memref<1x4000xf32, #tpu.memory_space<hbm>>
      %dma_start3A_720 = tpu.memref_squeeze %dma_start3A_719 : memref<1x4000xf32, #tpu.memory_space<hbm>> -> memref<4000xf32, #tpu.memory_space<hbm>>
      %dma_start3A_721 = tpu.memref_slice %arg3[%add3A_714, %mul3A_713] : memref<128x160000xf32, #tpu.memory_space<hbm>> -> memref<1x4000xf32, #tpu.memory_space<hbm>>
      %dma_start3A_722 = tpu.memref_squeeze %dma_start3A_721 : memref<1x4000xf32, #tpu.memory_space<hbm>> -> memref<4000xf32, #tpu.memory_space<hbm>>
      %dma_start3A_723 = arith.constant 0 : i32
      %dma_start3A_724 = tpu.memref_slice %arg4[%dma_start3A_715, %dma_start3A_723] : memref<8x4000xf32, #tpu.memory_space<vmem>> -> memref<1x4000xf32, #tpu.memory_space<vmem>>
      %dma_start3A_725 = tpu.memref_squeeze %dma_start3A_724 : memref<1x4000xf32, #tpu.memory_space<vmem>> -> memref<4000xf32, #tpu.memory_space<vmem>>
      tpu.enqueue_dma source(%dma_start3A_725 : memref<4000xf32, #tpu.memory_space<vmem>>) target(%dma_start3A_722 : memref<4000xf32, #tpu.memory_space<hbm>>) target_semaphore(%arg19 : memref<!tpu.dma_semaphore, #tpu.memory_space<semaphore_mem>>)
      %add3A_726 = arith.constant 6 : i32
      %add3A_727 = arith.addi %add3A_491, %add3A_726 : i32
      %div3A_728 = arith.constant 40 : i32
      %div3A_729 = arith.divsi %add3A_727, %div3A_728 : i32
      %rem3A_730 = arith.constant 40 : i32
      %rem3A_731 = arith.remsi %add3A_727, %rem3A_730 : i32
      %mul3A_732 = arith.constant 4000 : i32
      %mul3A_733 = arith.muli %rem3A_731, %mul3A_732 : i32
      %get3A_734 = arith.index_cast %div3A_729 : i32 to index
      %get3A_735 = memref.load %arg5[%get3A_734] : memref<4xi32, #tpu.memory_space<smem>>
      %dma_wait3A_736 = arith.constant 6 : i32
      %dma_wait3A_737 = arith.constant 0 : i32
      %dma_wait3A_738 = tpu.memref_slice %arg4[%dma_wait3A_736, %dma_wait3A_737] : memref<8x4000xf32, #tpu.memory_space<vmem>> -> memref<1x4000xf32, #tpu.memory_space<vmem>>
      %dma_wait3A_739 = tpu.memref_squeeze %dma_wait3A_738 : memref<1x4000xf32, #tpu.memory_space<vmem>> -> memref<4000xf32, #tpu.memory_space<vmem>>
      %dma_wait3A_740 = tpu.memref_slice %arg2[%get3A_735, %mul3A_733] : memref<128x160000xf32, #tpu.memory_space<hbm>> -> memref<1x4000xf32, #tpu.memory_space<hbm>>
      %dma_wait3A_741 = tpu.memref_squeeze %dma_wait3A_740 : memref<1x4000xf32, #tpu.memory_space<hbm>> -> memref<4000xf32, #tpu.memory_space<hbm>>
      %dma_wait3A_742 = arith.constant 0 : i32
      %dma_wait3A_743 = tpu.memref_slice %arg4[%dma_wait3A_736, %dma_wait3A_742] : memref<8x4000xf32, #tpu.memory_space<vmem>> -> memref<1x4000xf32, #tpu.memory_space<vmem>>
      %dma_wait3A_744 = tpu.memref_squeeze %dma_wait3A_743 : memref<1x4000xf32, #tpu.memory_space<vmem>> -> memref<4000xf32, #tpu.memory_space<vmem>>
      %dma_wait3A_745 = tpu.memref_slice %arg2[%get3A_735, %mul3A_733] : memref<128x160000xf32, #tpu.memory_space<hbm>> -> memref<1x4000xf32, #tpu.memory_space<hbm>>
      %dma_wait3A_746 = tpu.memref_squeeze %dma_wait3A_745 : memref<1x4000xf32, #tpu.memory_space<hbm>> -> memref<4000xf32, #tpu.memory_space<hbm>>
      tpu.wait_dma2 semaphore(%arg12 : memref<!tpu.dma_semaphore, #tpu.memory_space<semaphore_mem>>) src(%dma_wait3A_746 : memref<4000xf32, #tpu.memory_space<hbm>>) dst(%dma_wait3A_744 : memref<4000xf32, #tpu.memory_space<vmem>>)
      %div3A_747 = arith.constant 40 : i32
      %div3A_748 = arith.divsi %add3A_727, %div3A_747 : i32
      %rem3A_749 = arith.constant 40 : i32
      %rem3A_750 = arith.remsi %add3A_727, %rem3A_749 : i32
      %mul3A_751 = arith.constant 4000 : i32
      %mul3A_752 = arith.muli %rem3A_750, %mul3A_751 : i32
      %add3A_753 = arith.addi %mul3A_2, %div3A_748 : i32
      %dma_start3A_754 = arith.constant 6 : i32
      %dma_start3A_755 = arith.constant 0 : i32
      %dma_start3A_756 = tpu.memref_slice %arg4[%dma_start3A_754, %dma_start3A_755] : memref<8x4000xf32, #tpu.memory_space<vmem>> -> memref<1x4000xf32, #tpu.memory_space<vmem>>
      %dma_start3A_757 = tpu.memref_squeeze %dma_start3A_756 : memref<1x4000xf32, #tpu.memory_space<vmem>> -> memref<4000xf32, #tpu.memory_space<vmem>>
      %dma_start3A_758 = tpu.memref_slice %arg3[%add3A_753, %mul3A_752] : memref<128x160000xf32, #tpu.memory_space<hbm>> -> memref<1x4000xf32, #tpu.memory_space<hbm>>
      %dma_start3A_759 = tpu.memref_squeeze %dma_start3A_758 : memref<1x4000xf32, #tpu.memory_space<hbm>> -> memref<4000xf32, #tpu.memory_space<hbm>>
      %dma_start3A_760 = tpu.memref_slice %arg3[%add3A_753, %mul3A_752] : memref<128x160000xf32, #tpu.memory_space<hbm>> -> memref<1x4000xf32, #tpu.memory_space<hbm>>
      %dma_start3A_761 = tpu.memref_squeeze %dma_start3A_760 : memref<1x4000xf32, #tpu.memory_space<hbm>> -> memref<4000xf32, #tpu.memory_space<hbm>>
      %dma_start3A_762 = arith.constant 0 : i32
      %dma_start3A_763 = tpu.memref_slice %arg4[%dma_start3A_754, %dma_start3A_762] : memref<8x4000xf32, #tpu.memory_space<vmem>> -> memref<1x4000xf32, #tpu.memory_space<vmem>>
      %dma_start3A_764 = tpu.memref_squeeze %dma_start3A_763 : memref<1x4000xf32, #tpu.memory_space<vmem>> -> memref<4000xf32, #tpu.memory_space<vmem>>
      tpu.enqueue_dma source(%dma_start3A_764 : memref<4000xf32, #tpu.memory_space<vmem>>) target(%dma_start3A_761 : memref<4000xf32, #tpu.memory_space<hbm>>) target_semaphore(%arg20 : memref<!tpu.dma_semaphore, #tpu.memory_space<semaphore_mem>>)
      %add3A_765 = arith.constant 7 : i32
      %add3A_766 = arith.addi %add3A_491, %add3A_765 : i32
      %div3A_767 = arith.constant 40 : i32
      %div3A_768 = arith.divsi %add3A_766, %div3A_767 : i32
      %rem3A_769 = arith.constant 40 : i32
      %rem3A_770 = arith.remsi %add3A_766, %rem3A_769 : i32
      %mul3A_771 = arith.constant 4000 : i32
      %mul3A_772 = arith.muli %rem3A_770, %mul3A_771 : i32
      %get3A_773 = arith.index_cast %div3A_768 : i32 to index
      %get3A_774 = memref.load %arg5[%get3A_773] : memref<4xi32, #tpu.memory_space<smem>>
      %dma_wait3A_775 = arith.constant 7 : i32
      %dma_wait3A_776 = arith.constant 0 : i32
      %dma_wait3A_777 = tpu.memref_slice %arg4[%dma_wait3A_775, %dma_wait3A_776] : memref<8x4000xf32, #tpu.memory_space<vmem>> -> memref<1x4000xf32, #tpu.memory_space<vmem>>
      %dma_wait3A_778 = tpu.memref_squeeze %dma_wait3A_777 : memref<1x4000xf32, #tpu.memory_space<vmem>> -> memref<4000xf32, #tpu.memory_space<vmem>>
      %dma_wait3A_779 = tpu.memref_slice %arg2[%get3A_774, %mul3A_772] : memref<128x160000xf32, #tpu.memory_space<hbm>> -> memref<1x4000xf32, #tpu.memory_space<hbm>>
      %dma_wait3A_780 = tpu.memref_squeeze %dma_wait3A_779 : memref<1x4000xf32, #tpu.memory_space<hbm>> -> memref<4000xf32, #tpu.memory_space<hbm>>
      %dma_wait3A_781 = arith.constant 0 : i32
      %dma_wait3A_782 = tpu.memref_slice %arg4[%dma_wait3A_775, %dma_wait3A_781] : memref<8x4000xf32, #tpu.memory_space<vmem>> -> memref<1x4000xf32, #tpu.memory_space<vmem>>
      %dma_wait3A_783 = tpu.memref_squeeze %dma_wait3A_782 : memref<1x4000xf32, #tpu.memory_space<vmem>> -> memref<4000xf32, #tpu.memory_space<vmem>>
      %dma_wait3A_784 = tpu.memref_slice %arg2[%get3A_774, %mul3A_772] : memref<128x160000xf32, #tpu.memory_space<hbm>> -> memref<1x4000xf32, #tpu.memory_space<hbm>>
      %dma_wait3A_785 = tpu.memref_squeeze %dma_wait3A_784 : memref<1x4000xf32, #tpu.memory_space<hbm>> -> memref<4000xf32, #tpu.memory_space<hbm>>
      tpu.wait_dma2 semaphore(%arg13 : memref<!tpu.dma_semaphore, #tpu.memory_space<semaphore_mem>>) src(%dma_wait3A_785 : memref<4000xf32, #tpu.memory_space<hbm>>) dst(%dma_wait3A_783 : memref<4000xf32, #tpu.memory_space<vmem>>)
      %div3A_786 = arith.constant 40 : i32
      %div3A_787 = arith.divsi %add3A_766, %div3A_786 : i32
      %rem3A_788 = arith.constant 40 : i32
      %rem3A_789 = arith.remsi %add3A_766, %rem3A_788 : i32
      %mul3A_790 = arith.constant 4000 : i32
      %mul3A_791 = arith.muli %rem3A_789, %mul3A_790 : i32
      %add3A_792 = arith.addi %mul3A_2, %div3A_787 : i32
      %dma_start3A_793 = arith.constant 7 : i32
      %dma_start3A_794 = arith.constant 0 : i32
      %dma_start3A_795 = tpu.memref_slice %arg4[%dma_start3A_793, %dma_start3A_794] : memref<8x4000xf32, #tpu.memory_space<vmem>> -> memref<1x4000xf32, #tpu.memory_space<vmem>>
      %dma_start3A_796 = tpu.memref_squeeze %dma_start3A_795 : memref<1x4000xf32, #tpu.memory_space<vmem>> -> memref<4000xf32, #tpu.memory_space<vmem>>
      %dma_start3A_797 = tpu.memref_slice %arg3[%add3A_792, %mul3A_791] : memref<128x160000xf32, #tpu.memory_space<hbm>> -> memref<1x4000xf32, #tpu.memory_space<hbm>>
      %dma_start3A_798 = tpu.memref_squeeze %dma_start3A_797 : memref<1x4000xf32, #tpu.memory_space<hbm>> -> memref<4000xf32, #tpu.memory_space<hbm>>
      %dma_start3A_799 = tpu.memref_slice %arg3[%add3A_792, %mul3A_791] : memref<128x160000xf32, #tpu.memory_space<hbm>> -> memref<1x4000xf32, #tpu.memory_space<hbm>>
      %dma_start3A_800 = tpu.memref_squeeze %dma_start3A_799 : memref<1x4000xf32, #tpu.memory_space<hbm>> -> memref<4000xf32, #tpu.memory_space<hbm>>
      %dma_start3A_801 = arith.constant 0 : i32
      %dma_start3A_802 = tpu.memref_slice %arg4[%dma_start3A_793, %dma_start3A_801] : memref<8x4000xf32, #tpu.memory_space<vmem>> -> memref<1x4000xf32, #tpu.memory_space<vmem>>
      %dma_start3A_803 = tpu.memref_squeeze %dma_start3A_802 : memref<1x4000xf32, #tpu.memory_space<vmem>> -> memref<4000xf32, #tpu.memory_space<vmem>>
      tpu.enqueue_dma source(%dma_start3A_803 : memref<4000xf32, #tpu.memory_space<vmem>>) target(%dma_start3A_800 : memref<4000xf32, #tpu.memory_space<hbm>>) target_semaphore(%arg21 : memref<!tpu.dma_semaphore, #tpu.memory_space<semaphore_mem>>)
      %add3A_804 = arith.constant 0 : i32
      %add3A_805 = arith.addi %add3A_491, %add3A_804 : i32
      %add3A_806 = arith.constant 8 : i32
      %add3A_807 = arith.addi %add3A_805, %add3A_806 : i32
      %lt3A = arith.constant 160 : i32
      %lt3A_808 = arith.cmpi slt, %add3A_807, %lt3A : i32
      %convert_element_type3A_809 = arith.extui %lt3A_808 : i1 to i32
      %cond3A_810 = arith.constant 0 : i32
      %cond3A_811 = arith.cmpi ne, %convert_element_type3A_809, %cond3A_810 : i32
      scf.if %cond3A_811 {
        %div3A_875 = arith.constant 40 : i32
        %div3A_876 = arith.divsi %add3A_805, %div3A_875 : i32
        %rem3A_877 = arith.constant 40 : i32
        %rem3A_878 = arith.remsi %add3A_805, %rem3A_877 : i32
        %mul3A_879 = arith.constant 4000 : i32
        %mul3A_880 = arith.muli %rem3A_878, %mul3A_879 : i32
        %add3A_881 = arith.addi %mul3A_2, %div3A_876 : i32
        %dma_wait3A_882 = arith.constant 0 : i32
        %dma_wait3A_883 = arith.constant 0 : i32
        %dma_wait3A_884 = tpu.memref_slice %arg4[%dma_wait3A_882, %dma_wait3A_883] : memref<8x4000xf32, #tpu.memory_space<vmem>> -> memref<1x4000xf32, #tpu.memory_space<vmem>>
        %dma_wait3A_885 = tpu.memref_squeeze %dma_wait3A_884 : memref<1x4000xf32, #tpu.memory_space<vmem>> -> memref<4000xf32, #tpu.memory_space<vmem>>
        %dma_wait3A_886 = tpu.memref_slice %arg3[%add3A_881, %mul3A_880] : memref<128x160000xf32, #tpu.memory_space<hbm>> -> memref<1x4000xf32, #tpu.memory_space<hbm>>
        %dma_wait3A_887 = tpu.memref_squeeze %dma_wait3A_886 : memref<1x4000xf32, #tpu.memory_space<hbm>> -> memref<4000xf32, #tpu.memory_space<hbm>>
        %dma_wait3A_888 = tpu.memref_slice %arg3[%add3A_881, %mul3A_880] : memref<128x160000xf32, #tpu.memory_space<hbm>> -> memref<1x4000xf32, #tpu.memory_space<hbm>>
        %dma_wait3A_889 = tpu.memref_squeeze %dma_wait3A_888 : memref<1x4000xf32, #tpu.memory_space<hbm>> -> memref<4000xf32, #tpu.memory_space<hbm>>
        %dma_wait3A_890 = arith.constant 0 : i32
        %dma_wait3A_891 = tpu.memref_slice %arg4[%dma_wait3A_882, %dma_wait3A_890] : memref<8x4000xf32, #tpu.memory_space<vmem>> -> memref<1x4000xf32, #tpu.memory_space<vmem>>
        %dma_wait3A_892 = tpu.memref_squeeze %dma_wait3A_891 : memref<1x4000xf32, #tpu.memory_space<vmem>> -> memref<4000xf32, #tpu.memory_space<vmem>>
        tpu.wait_dma2 semaphore(%arg14 : memref<!tpu.dma_semaphore, #tpu.memory_space<semaphore_mem>>) src(%dma_wait3A_892 : memref<4000xf32, #tpu.memory_space<vmem>>) dst(%dma_wait3A_889 : memref<4000xf32, #tpu.memory_space<hbm>>)
        %div3A_893 = arith.constant 40 : i32
        %div3A_894 = arith.divsi %add3A_807, %div3A_893 : i32
        %rem3A_895 = arith.constant 40 : i32
        %rem3A_896 = arith.remsi %add3A_807, %rem3A_895 : i32
        %mul3A_897 = arith.constant 4000 : i32
        %mul3A_898 = arith.muli %rem3A_896, %mul3A_897 : i32
        %get3A_899 = arith.index_cast %div3A_894 : i32 to index
        %get3A_900 = memref.load %arg5[%get3A_899] : memref<4xi32, #tpu.memory_space<smem>>
        %dma_start3A_901 = arith.constant 0 : i32
        %dma_start3A_902 = arith.constant 0 : i32
        %dma_start3A_903 = tpu.memref_slice %arg4[%dma_start3A_901, %dma_start3A_902] : memref<8x4000xf32, #tpu.memory_space<vmem>> -> memref<1x4000xf32, #tpu.memory_space<vmem>>
        %dma_start3A_904 = tpu.memref_squeeze %dma_start3A_903 : memref<1x4000xf32, #tpu.memory_space<vmem>> -> memref<4000xf32, #tpu.memory_space<vmem>>
        %dma_start3A_905 = tpu.memref_slice %arg2[%get3A_900, %mul3A_898] : memref<128x160000xf32, #tpu.memory_space<hbm>> -> memref<1x4000xf32, #tpu.memory_space<hbm>>
        %dma_start3A_906 = tpu.memref_squeeze %dma_start3A_905 : memref<1x4000xf32, #tpu.memory_space<hbm>> -> memref<4000xf32, #tpu.memory_space<hbm>>
        %dma_start3A_907 = arith.constant 0 : i32
        %dma_start3A_908 = tpu.memref_slice %arg4[%dma_start3A_901, %dma_start3A_907] : memref<8x4000xf32, #tpu.memory_space<vmem>> -> memref<1x4000xf32, #tpu.memory_space<vmem>>
        %dma_start3A_909 = tpu.memref_squeeze %dma_start3A_908 : memref<1x4000xf32, #tpu.memory_space<vmem>> -> memref<4000xf32, #tpu.memory_space<vmem>>
        %dma_start3A_910 = tpu.memref_slice %arg2[%get3A_900, %mul3A_898] : memref<128x160000xf32, #tpu.memory_space<hbm>> -> memref<1x4000xf32, #tpu.memory_space<hbm>>
        %dma_start3A_911 = tpu.memref_squeeze %dma_start3A_910 : memref<1x4000xf32, #tpu.memory_space<hbm>> -> memref<4000xf32, #tpu.memory_space<hbm>>
        tpu.enqueue_dma source(%dma_start3A_911 : memref<4000xf32, #tpu.memory_space<hbm>>) target(%dma_start3A_909 : memref<4000xf32, #tpu.memory_space<vmem>>) target_semaphore(%arg6 : memref<!tpu.dma_semaphore, #tpu.memory_space<semaphore_mem>>)
      } else {
      }
      %add3A_812 = arith.constant 1 : i32
      %add3A_813 = arith.addi %add3A_491, %add3A_812 : i32
      %add3A_814 = arith.constant 8 : i32
      %add3A_815 = arith.addi %add3A_813, %add3A_814 : i32
      %lt3A_816 = arith.constant 160 : i32
      %lt3A_817 = arith.cmpi slt, %add3A_815, %lt3A_816 : i32
      %convert_element_type3A_818 = arith.extui %lt3A_817 : i1 to i32
      %cond3A_819 = arith.constant 0 : i32
      %cond3A_820 = arith.cmpi ne, %convert_element_type3A_818, %cond3A_819 : i32
      scf.if %cond3A_820 {
        %div3A_875 = arith.constant 40 : i32
        %div3A_876 = arith.divsi %add3A_813, %div3A_875 : i32
        %rem3A_877 = arith.constant 40 : i32
        %rem3A_878 = arith.remsi %add3A_813, %rem3A_877 : i32
        %mul3A_879 = arith.constant 4000 : i32
        %mul3A_880 = arith.muli %rem3A_878, %mul3A_879 : i32
        %add3A_881 = arith.addi %mul3A_2, %div3A_876 : i32
        %dma_wait3A_882 = arith.constant 1 : i32
        %dma_wait3A_883 = arith.constant 0 : i32
        %dma_wait3A_884 = tpu.memref_slice %arg4[%dma_wait3A_882, %dma_wait3A_883] : memref<8x4000xf32, #tpu.memory_space<vmem>> -> memref<1x4000xf32, #tpu.memory_space<vmem>>
        %dma_wait3A_885 = tpu.memref_squeeze %dma_wait3A_884 : memref<1x4000xf32, #tpu.memory_space<vmem>> -> memref<4000xf32, #tpu.memory_space<vmem>>
        %dma_wait3A_886 = tpu.memref_slice %arg3[%add3A_881, %mul3A_880] : memref<128x160000xf32, #tpu.memory_space<hbm>> -> memref<1x4000xf32, #tpu.memory_space<hbm>>
        %dma_wait3A_887 = tpu.memref_squeeze %dma_wait3A_886 : memref<1x4000xf32, #tpu.memory_space<hbm>> -> memref<4000xf32, #tpu.memory_space<hbm>>
        %dma_wait3A_888 = tpu.memref_slice %arg3[%add3A_881, %mul3A_880] : memref<128x160000xf32, #tpu.memory_space<hbm>> -> memref<1x4000xf32, #tpu.memory_space<hbm>>
        %dma_wait3A_889 = tpu.memref_squeeze %dma_wait3A_888 : memref<1x4000xf32, #tpu.memory_space<hbm>> -> memref<4000xf32, #tpu.memory_space<hbm>>
        %dma_wait3A_890 = arith.constant 0 : i32
        %dma_wait3A_891 = tpu.memref_slice %arg4[%dma_wait3A_882, %dma_wait3A_890] : memref<8x4000xf32, #tpu.memory_space<vmem>> -> memref<1x4000xf32, #tpu.memory_space<vmem>>
        %dma_wait3A_892 = tpu.memref_squeeze %dma_wait3A_891 : memref<1x4000xf32, #tpu.memory_space<vmem>> -> memref<4000xf32, #tpu.memory_space<vmem>>
        tpu.wait_dma2 semaphore(%arg15 : memref<!tpu.dma_semaphore, #tpu.memory_space<semaphore_mem>>) src(%dma_wait3A_892 : memref<4000xf32, #tpu.memory_space<vmem>>) dst(%dma_wait3A_889 : memref<4000xf32, #tpu.memory_space<hbm>>)
        %div3A_893 = arith.constant 40 : i32
        %div3A_894 = arith.divsi %add3A_815, %div3A_893 : i32
        %rem3A_895 = arith.constant 40 : i32
        %rem3A_896 = arith.remsi %add3A_815, %rem3A_895 : i32
        %mul3A_897 = arith.constant 4000 : i32
        %mul3A_898 = arith.muli %rem3A_896, %mul3A_897 : i32
        %get3A_899 = arith.index_cast %div3A_894 : i32 to index
        %get3A_900 = memref.load %arg5[%get3A_899] : memref<4xi32, #tpu.memory_space<smem>>
        %dma_start3A_901 = arith.constant 1 : i32
        %dma_start3A_902 = arith.constant 0 : i32
        %dma_start3A_903 = tpu.memref_slice %arg4[%dma_start3A_901, %dma_start3A_902] : memref<8x4000xf32, #tpu.memory_space<vmem>> -> memref<1x4000xf32, #tpu.memory_space<vmem>>
        %dma_start3A_904 = tpu.memref_squeeze %dma_start3A_903 : memref<1x4000xf32, #tpu.memory_space<vmem>> -> memref<4000xf32, #tpu.memory_space<vmem>>
        %dma_start3A_905 = tpu.memref_slice %arg2[%get3A_900, %mul3A_898] : memref<128x160000xf32, #tpu.memory_space<hbm>> -> memref<1x4000xf32, #tpu.memory_space<hbm>>
        %dma_start3A_906 = tpu.memref_squeeze %dma_start3A_905 : memref<1x4000xf32, #tpu.memory_space<hbm>> -> memref<4000xf32, #tpu.memory_space<hbm>>
        %dma_start3A_907 = arith.constant 0 : i32
        %dma_start3A_908 = tpu.memref_slice %arg4[%dma_start3A_901, %dma_start3A_907] : memref<8x4000xf32, #tpu.memory_space<vmem>> -> memref<1x4000xf32, #tpu.memory_space<vmem>>
        %dma_start3A_909 = tpu.memref_squeeze %dma_start3A_908 : memref<1x4000xf32, #tpu.memory_space<vmem>> -> memref<4000xf32, #tpu.memory_space<vmem>>
        %dma_start3A_910 = tpu.memref_slice %arg2[%get3A_900, %mul3A_898] : memref<128x160000xf32, #tpu.memory_space<hbm>> -> memref<1x4000xf32, #tpu.memory_space<hbm>>
        %dma_start3A_911 = tpu.memref_squeeze %dma_start3A_910 : memref<1x4000xf32, #tpu.memory_space<hbm>> -> memref<4000xf32, #tpu.memory_space<hbm>>
        tpu.enqueue_dma source(%dma_start3A_911 : memref<4000xf32, #tpu.memory_space<hbm>>) target(%dma_start3A_909 : memref<4000xf32, #tpu.memory_space<vmem>>) target_semaphore(%arg7 : memref<!tpu.dma_semaphore, #tpu.memory_space<semaphore_mem>>)
      } else {
      }
      %add3A_821 = arith.constant 2 : i32
      %add3A_822 = arith.addi %add3A_491, %add3A_821 : i32
      %add3A_823 = arith.constant 8 : i32
      %add3A_824 = arith.addi %add3A_822, %add3A_823 : i32
      %lt3A_825 = arith.constant 160 : i32
      %lt3A_826 = arith.cmpi slt, %add3A_824, %lt3A_825 : i32
      %convert_element_type3A_827 = arith.extui %lt3A_826 : i1 to i32
      %cond3A_828 = arith.constant 0 : i32
      %cond3A_829 = arith.cmpi ne, %convert_element_type3A_827, %cond3A_828 : i32
      scf.if %cond3A_829 {
        %div3A_875 = arith.constant 40 : i32
        %div3A_876 = arith.divsi %add3A_822, %div3A_875 : i32
        %rem3A_877 = arith.constant 40 : i32
        %rem3A_878 = arith.remsi %add3A_822, %rem3A_877 : i32
        %mul3A_879 = arith.constant 4000 : i32
        %mul3A_880 = arith.muli %rem3A_878, %mul3A_879 : i32
        %add3A_881 = arith.addi %mul3A_2, %div3A_876 : i32
        %dma_wait3A_882 = arith.constant 2 : i32
        %dma_wait3A_883 = arith.constant 0 : i32
        %dma_wait3A_884 = tpu.memref_slice %arg4[%dma_wait3A_882, %dma_wait3A_883] : memref<8x4000xf32, #tpu.memory_space<vmem>> -> memref<1x4000xf32, #tpu.memory_space<vmem>>
        %dma_wait3A_885 = tpu.memref_squeeze %dma_wait3A_884 : memref<1x4000xf32, #tpu.memory_space<vmem>> -> memref<4000xf32, #tpu.memory_space<vmem>>
        %dma_wait3A_886 = tpu.memref_slice %arg3[%add3A_881, %mul3A_880] : memref<128x160000xf32, #tpu.memory_space<hbm>> -> memref<1x4000xf32, #tpu.memory_space<hbm>>
        %dma_wait3A_887 = tpu.memref_squeeze %dma_wait3A_886 : memref<1x4000xf32, #tpu.memory_space<hbm>> -> memref<4000xf32, #tpu.memory_space<hbm>>
        %dma_wait3A_888 = tpu.memref_slice %arg3[%add3A_881, %mul3A_880] : memref<128x160000xf32, #tpu.memory_space<hbm>> -> memref<1x4000xf32, #tpu.memory_space<hbm>>
        %dma_wait3A_889 = tpu.memref_squeeze %dma_wait3A_888 : memref<1x4000xf32, #tpu.memory_space<hbm>> -> memref<4000xf32, #tpu.memory_space<hbm>>
        %dma_wait3A_890 = arith.constant 0 : i32
        %dma_wait3A_891 = tpu.memref_slice %arg4[%dma_wait3A_882, %dma_wait3A_890] : memref<8x4000xf32, #tpu.memory_space<vmem>> -> memref<1x4000xf32, #tpu.memory_space<vmem>>
        %dma_wait3A_892 = tpu.memref_squeeze %dma_wait3A_891 : memref<1x4000xf32, #tpu.memory_space<vmem>> -> memref<4000xf32, #tpu.memory_space<vmem>>
        tpu.wait_dma2 semaphore(%arg16 : memref<!tpu.dma_semaphore, #tpu.memory_space<semaphore_mem>>) src(%dma_wait3A_892 : memref<4000xf32, #tpu.memory_space<vmem>>) dst(%dma_wait3A_889 : memref<4000xf32, #tpu.memory_space<hbm>>)
        %div3A_893 = arith.constant 40 : i32
        %div3A_894 = arith.divsi %add3A_824, %div3A_893 : i32
        %rem3A_895 = arith.constant 40 : i32
        %rem3A_896 = arith.remsi %add3A_824, %rem3A_895 : i32
        %mul3A_897 = arith.constant 4000 : i32
        %mul3A_898 = arith.muli %rem3A_896, %mul3A_897 : i32
        %get3A_899 = arith.index_cast %div3A_894 : i32 to index
        %get3A_900 = memref.load %arg5[%get3A_899] : memref<4xi32, #tpu.memory_space<smem>>
        %dma_start3A_901 = arith.constant 2 : i32
        %dma_start3A_902 = arith.constant 0 : i32
        %dma_start3A_903 = tpu.memref_slice %arg4[%dma_start3A_901, %dma_start3A_902] : memref<8x4000xf32, #tpu.memory_space<vmem>> -> memref<1x4000xf32, #tpu.memory_space<vmem>>
        %dma_start3A_904 = tpu.memref_squeeze %dma_start3A_903 : memref<1x4000xf32, #tpu.memory_space<vmem>> -> memref<4000xf32, #tpu.memory_space<vmem>>
        %dma_start3A_905 = tpu.memref_slice %arg2[%get3A_900, %mul3A_898] : memref<128x160000xf32, #tpu.memory_space<hbm>> -> memref<1x4000xf32, #tpu.memory_space<hbm>>
        %dma_start3A_906 = tpu.memref_squeeze %dma_start3A_905 : memref<1x4000xf32, #tpu.memory_space<hbm>> -> memref<4000xf32, #tpu.memory_space<hbm>>
        %dma_start3A_907 = arith.constant 0 : i32
        %dma_start3A_908 = tpu.memref_slice %arg4[%dma_start3A_901, %dma_start3A_907] : memref<8x4000xf32, #tpu.memory_space<vmem>> -> memref<1x4000xf32, #tpu.memory_space<vmem>>
        %dma_start3A_909 = tpu.memref_squeeze %dma_start3A_908 : memref<1x4000xf32, #tpu.memory_space<vmem>> -> memref<4000xf32, #tpu.memory_space<vmem>>
        %dma_start3A_910 = tpu.memref_slice %arg2[%get3A_900, %mul3A_898] : memref<128x160000xf32, #tpu.memory_space<hbm>> -> memref<1x4000xf32, #tpu.memory_space<hbm>>
        %dma_start3A_911 = tpu.memref_squeeze %dma_start3A_910 : memref<1x4000xf32, #tpu.memory_space<hbm>> -> memref<4000xf32, #tpu.memory_space<hbm>>
        tpu.enqueue_dma source(%dma_start3A_911 : memref<4000xf32, #tpu.memory_space<hbm>>) target(%dma_start3A_909 : memref<4000xf32, #tpu.memory_space<vmem>>) target_semaphore(%arg8 : memref<!tpu.dma_semaphore, #tpu.memory_space<semaphore_mem>>)
      } else {
      }
      %add3A_830 = arith.constant 3 : i32
      %add3A_831 = arith.addi %add3A_491, %add3A_830 : i32
      %add3A_832 = arith.constant 8 : i32
      %add3A_833 = arith.addi %add3A_831, %add3A_832 : i32
      %lt3A_834 = arith.constant 160 : i32
      %lt3A_835 = arith.cmpi slt, %add3A_833, %lt3A_834 : i32
      %convert_element_type3A_836 = arith.extui %lt3A_835 : i1 to i32
      %cond3A_837 = arith.constant 0 : i32
      %cond3A_838 = arith.cmpi ne, %convert_element_type3A_836, %cond3A_837 : i32
      scf.if %cond3A_838 {
        %div3A_875 = arith.constant 40 : i32
        %div3A_876 = arith.divsi %add3A_831, %div3A_875 : i32
        %rem3A_877 = arith.constant 40 : i32
        %rem3A_878 = arith.remsi %add3A_831, %rem3A_877 : i32
        %mul3A_879 = arith.constant 4000 : i32
        %mul3A_880 = arith.muli %rem3A_878, %mul3A_879 : i32
        %add3A_881 = arith.addi %mul3A_2, %div3A_876 : i32
        %dma_wait3A_882 = arith.constant 3 : i32
        %dma_wait3A_883 = arith.constant 0 : i32
        %dma_wait3A_884 = tpu.memref_slice %arg4[%dma_wait3A_882, %dma_wait3A_883] : memref<8x4000xf32, #tpu.memory_space<vmem>> -> memref<1x4000xf32, #tpu.memory_space<vmem>>
        %dma_wait3A_885 = tpu.memref_squeeze %dma_wait3A_884 : memref<1x4000xf32, #tpu.memory_space<vmem>> -> memref<4000xf32, #tpu.memory_space<vmem>>
        %dma_wait3A_886 = tpu.memref_slice %arg3[%add3A_881, %mul3A_880] : memref<128x160000xf32, #tpu.memory_space<hbm>> -> memref<1x4000xf32, #tpu.memory_space<hbm>>
        %dma_wait3A_887 = tpu.memref_squeeze %dma_wait3A_886 : memref<1x4000xf32, #tpu.memory_space<hbm>> -> memref<4000xf32, #tpu.memory_space<hbm>>
        %dma_wait3A_888 = tpu.memref_slice %arg3[%add3A_881, %mul3A_880] : memref<128x160000xf32, #tpu.memory_space<hbm>> -> memref<1x4000xf32, #tpu.memory_space<hbm>>
        %dma_wait3A_889 = tpu.memref_squeeze %dma_wait3A_888 : memref<1x4000xf32, #tpu.memory_space<hbm>> -> memref<4000xf32, #tpu.memory_space<hbm>>
        %dma_wait3A_890 = arith.constant 0 : i32
        %dma_wait3A_891 = tpu.memref_slice %arg4[%dma_wait3A_882, %dma_wait3A_890] : memref<8x4000xf32, #tpu.memory_space<vmem>> -> memref<1x4000xf32, #tpu.memory_space<vmem>>
        %dma_wait3A_892 = tpu.memref_squeeze %dma_wait3A_891 : memref<1x4000xf32, #tpu.memory_space<vmem>> -> memref<4000xf32, #tpu.memory_space<vmem>>
        tpu.wait_dma2 semaphore(%arg17 : memref<!tpu.dma_semaphore, #tpu.memory_space<semaphore_mem>>) src(%dma_wait3A_892 : memref<4000xf32, #tpu.memory_space<vmem>>) dst(%dma_wait3A_889 : memref<4000xf32, #tpu.memory_space<hbm>>)
        %div3A_893 = arith.constant 40 : i32
        %div3A_894 = arith.divsi %add3A_833, %div3A_893 : i32
        %rem3A_895 = arith.constant 40 : i32
        %rem3A_896 = arith.remsi %add3A_833, %rem3A_895 : i32
        %mul3A_897 = arith.constant 4000 : i32
        %mul3A_898 = arith.muli %rem3A_896, %mul3A_897 : i32
        %get3A_899 = arith.index_cast %div3A_894 : i32 to index
        %get3A_900 = memref.load %arg5[%get3A_899] : memref<4xi32, #tpu.memory_space<smem>>
        %dma_start3A_901 = arith.constant 3 : i32
        %dma_start3A_902 = arith.constant 0 : i32
        %dma_start3A_903 = tpu.memref_slice %arg4[%dma_start3A_901, %dma_start3A_902] : memref<8x4000xf32, #tpu.memory_space<vmem>> -> memref<1x4000xf32, #tpu.memory_space<vmem>>
        %dma_start3A_904 = tpu.memref_squeeze %dma_start3A_903 : memref<1x4000xf32, #tpu.memory_space<vmem>> -> memref<4000xf32, #tpu.memory_space<vmem>>
        %dma_start3A_905 = tpu.memref_slice %arg2[%get3A_900, %mul3A_898] : memref<128x160000xf32, #tpu.memory_space<hbm>> -> memref<1x4000xf32, #tpu.memory_space<hbm>>
        %dma_start3A_906 = tpu.memref_squeeze %dma_start3A_905 : memref<1x4000xf32, #tpu.memory_space<hbm>> -> memref<4000xf32, #tpu.memory_space<hbm>>
        %dma_start3A_907 = arith.constant 0 : i32
        %dma_start3A_908 = tpu.memref_slice %arg4[%dma_start3A_901, %dma_start3A_907] : memref<8x4000xf32, #tpu.memory_space<vmem>> -> memref<1x4000xf32, #tpu.memory_space<vmem>>
        %dma_start3A_909 = tpu.memref_squeeze %dma_start3A_908 : memref<1x4000xf32, #tpu.memory_space<vmem>> -> memref<4000xf32, #tpu.memory_space<vmem>>
        %dma_start3A_910 = tpu.memref_slice %arg2[%get3A_900, %mul3A_898] : memref<128x160000xf32, #tpu.memory_space<hbm>> -> memref<1x4000xf32, #tpu.memory_space<hbm>>
        %dma_start3A_911 = tpu.memref_squeeze %dma_start3A_910 : memref<1x4000xf32, #tpu.memory_space<hbm>> -> memref<4000xf32, #tpu.memory_space<hbm>>
        tpu.enqueue_dma source(%dma_start3A_911 : memref<4000xf32, #tpu.memory_space<hbm>>) target(%dma_start3A_909 : memref<4000xf32, #tpu.memory_space<vmem>>) target_semaphore(%arg9 : memref<!tpu.dma_semaphore, #tpu.memory_space<semaphore_mem>>)
      } else {
      }
      %add3A_839 = arith.constant 4 : i32
      %add3A_840 = arith.addi %add3A_491, %add3A_839 : i32
      %add3A_841 = arith.constant 8 : i32
      %add3A_842 = arith.addi %add3A_840, %add3A_841 : i32
      %lt3A_843 = arith.constant 160 : i32
      %lt3A_844 = arith.cmpi slt, %add3A_842, %lt3A_843 : i32
      %convert_element_type3A_845 = arith.extui %lt3A_844 : i1 to i32
      %cond3A_846 = arith.constant 0 : i32
      %cond3A_847 = arith.cmpi ne, %convert_element_type3A_845, %cond3A_846 : i32
      scf.if %cond3A_847 {
        %div3A_875 = arith.constant 40 : i32
        %div3A_876 = arith.divsi %add3A_840, %div3A_875 : i32
        %rem3A_877 = arith.constant 40 : i32
        %rem3A_878 = arith.remsi %add3A_840, %rem3A_877 : i32
        %mul3A_879 = arith.constant 4000 : i32
        %mul3A_880 = arith.muli %rem3A_878, %mul3A_879 : i32
        %add3A_881 = arith.addi %mul3A_2, %div3A_876 : i32
        %dma_wait3A_882 = arith.constant 4 : i32
        %dma_wait3A_883 = arith.constant 0 : i32
        %dma_wait3A_884 = tpu.memref_slice %arg4[%dma_wait3A_882, %dma_wait3A_883] : memref<8x4000xf32, #tpu.memory_space<vmem>> -> memref<1x4000xf32, #tpu.memory_space<vmem>>
        %dma_wait3A_885 = tpu.memref_squeeze %dma_wait3A_884 : memref<1x4000xf32, #tpu.memory_space<vmem>> -> memref<4000xf32, #tpu.memory_space<vmem>>
        %dma_wait3A_886 = tpu.memref_slice %arg3[%add3A_881, %mul3A_880] : memref<128x160000xf32, #tpu.memory_space<hbm>> -> memref<1x4000xf32, #tpu.memory_space<hbm>>
        %dma_wait3A_887 = tpu.memref_squeeze %dma_wait3A_886 : memref<1x4000xf32, #tpu.memory_space<hbm>> -> memref<4000xf32, #tpu.memory_space<hbm>>
        %dma_wait3A_888 = tpu.memref_slice %arg3[%add3A_881, %mul3A_880] : memref<128x160000xf32, #tpu.memory_space<hbm>> -> memref<1x4000xf32, #tpu.memory_space<hbm>>
        %dma_wait3A_889 = tpu.memref_squeeze %dma_wait3A_888 : memref<1x4000xf32, #tpu.memory_space<hbm>> -> memref<4000xf32, #tpu.memory_space<hbm>>
        %dma_wait3A_890 = arith.constant 0 : i32
        %dma_wait3A_891 = tpu.memref_slice %arg4[%dma_wait3A_882, %dma_wait3A_890] : memref<8x4000xf32, #tpu.memory_space<vmem>> -> memref<1x4000xf32, #tpu.memory_space<vmem>>
        %dma_wait3A_892 = tpu.memref_squeeze %dma_wait3A_891 : memref<1x4000xf32, #tpu.memory_space<vmem>> -> memref<4000xf32, #tpu.memory_space<vmem>>
        tpu.wait_dma2 semaphore(%arg18 : memref<!tpu.dma_semaphore, #tpu.memory_space<semaphore_mem>>) src(%dma_wait3A_892 : memref<4000xf32, #tpu.memory_space<vmem>>) dst(%dma_wait3A_889 : memref<4000xf32, #tpu.memory_space<hbm>>)
        %div3A_893 = arith.constant 40 : i32
        %div3A_894 = arith.divsi %add3A_842, %div3A_893 : i32
        %rem3A_895 = arith.constant 40 : i32
        %rem3A_896 = arith.remsi %add3A_842, %rem3A_895 : i32
        %mul3A_897 = arith.constant 4000 : i32
        %mul3A_898 = arith.muli %rem3A_896, %mul3A_897 : i32
        %get3A_899 = arith.index_cast %div3A_894 : i32 to index
        %get3A_900 = memref.load %arg5[%get3A_899] : memref<4xi32, #tpu.memory_space<smem>>
        %dma_start3A_901 = arith.constant 4 : i32
        %dma_start3A_902 = arith.constant 0 : i32
        %dma_start3A_903 = tpu.memref_slice %arg4[%dma_start3A_901, %dma_start3A_902] : memref<8x4000xf32, #tpu.memory_space<vmem>> -> memref<1x4000xf32, #tpu.memory_space<vmem>>
        %dma_start3A_904 = tpu.memref_squeeze %dma_start3A_903 : memref<1x4000xf32, #tpu.memory_space<vmem>> -> memref<4000xf32, #tpu.memory_space<vmem>>
        %dma_start3A_905 = tpu.memref_slice %arg2[%get3A_900, %mul3A_898] : memref<128x160000xf32, #tpu.memory_space<hbm>> -> memref<1x4000xf32, #tpu.memory_space<hbm>>
        %dma_start3A_906 = tpu.memref_squeeze %dma_start3A_905 : memref<1x4000xf32, #tpu.memory_space<hbm>> -> memref<4000xf32, #tpu.memory_space<hbm>>
        %dma_start3A_907 = arith.constant 0 : i32
        %dma_start3A_908 = tpu.memref_slice %arg4[%dma_start3A_901, %dma_start3A_907] : memref<8x4000xf32, #tpu.memory_space<vmem>> -> memref<1x4000xf32, #tpu.memory_space<vmem>>
        %dma_start3A_909 = tpu.memref_squeeze %dma_start3A_908 : memref<1x4000xf32, #tpu.memory_space<vmem>> -> memref<4000xf32, #tpu.memory_space<vmem>>
        %dma_start3A_910 = tpu.memref_slice %arg2[%get3A_900, %mul3A_898] : memref<128x160000xf32, #tpu.memory_space<hbm>> -> memref<1x4000xf32, #tpu.memory_space<hbm>>
        %dma_start3A_911 = tpu.memref_squeeze %dma_start3A_910 : memref<1x4000xf32, #tpu.memory_space<hbm>> -> memref<4000xf32, #tpu.memory_space<hbm>>
        tpu.enqueue_dma source(%dma_start3A_911 : memref<4000xf32, #tpu.memory_space<hbm>>) target(%dma_start3A_909 : memref<4000xf32, #tpu.memory_space<vmem>>) target_semaphore(%arg10 : memref<!tpu.dma_semaphore, #tpu.memory_space<semaphore_mem>>)
      } else {
      }
      %add3A_848 = arith.constant 5 : i32
      %add3A_849 = arith.addi %add3A_491, %add3A_848 : i32
      %add3A_850 = arith.constant 8 : i32
      %add3A_851 = arith.addi %add3A_849, %add3A_850 : i32
      %lt3A_852 = arith.constant 160 : i32
      %lt3A_853 = arith.cmpi slt, %add3A_851, %lt3A_852 : i32
      %convert_element_type3A_854 = arith.extui %lt3A_853 : i1 to i32
      %cond3A_855 = arith.constant 0 : i32
      %cond3A_856 = arith.cmpi ne, %convert_element_type3A_854, %cond3A_855 : i32
      scf.if %cond3A_856 {
        %div3A_875 = arith.constant 40 : i32
        %div3A_876 = arith.divsi %add3A_849, %div3A_875 : i32
        %rem3A_877 = arith.constant 40 : i32
        %rem3A_878 = arith.remsi %add3A_849, %rem3A_877 : i32
        %mul3A_879 = arith.constant 4000 : i32
        %mul3A_880 = arith.muli %rem3A_878, %mul3A_879 : i32
        %add3A_881 = arith.addi %mul3A_2, %div3A_876 : i32
        %dma_wait3A_882 = arith.constant 5 : i32
        %dma_wait3A_883 = arith.constant 0 : i32
        %dma_wait3A_884 = tpu.memref_slice %arg4[%dma_wait3A_882, %dma_wait3A_883] : memref<8x4000xf32, #tpu.memory_space<vmem>> -> memref<1x4000xf32, #tpu.memory_space<vmem>>
        %dma_wait3A_885 = tpu.memref_squeeze %dma_wait3A_884 : memref<1x4000xf32, #tpu.memory_space<vmem>> -> memref<4000xf32, #tpu.memory_space<vmem>>
        %dma_wait3A_886 = tpu.memref_slice %arg3[%add3A_881, %mul3A_880] : memref<128x160000xf32, #tpu.memory_space<hbm>> -> memref<1x4000xf32, #tpu.memory_space<hbm>>
        %dma_wait3A_887 = tpu.memref_squeeze %dma_wait3A_886 : memref<1x4000xf32, #tpu.memory_space<hbm>> -> memref<4000xf32, #tpu.memory_space<hbm>>
        %dma_wait3A_888 = tpu.memref_slice %arg3[%add3A_881, %mul3A_880] : memref<128x160000xf32, #tpu.memory_space<hbm>> -> memref<1x4000xf32, #tpu.memory_space<hbm>>
        %dma_wait3A_889 = tpu.memref_squeeze %dma_wait3A_888 : memref<1x4000xf32, #tpu.memory_space<hbm>> -> memref<4000xf32, #tpu.memory_space<hbm>>
        %dma_wait3A_890 = arith.constant 0 : i32
        %dma_wait3A_891 = tpu.memref_slice %arg4[%dma_wait3A_882, %dma_wait3A_890] : memref<8x4000xf32, #tpu.memory_space<vmem>> -> memref<1x4000xf32, #tpu.memory_space<vmem>>
        %dma_wait3A_892 = tpu.memref_squeeze %dma_wait3A_891 : memref<1x4000xf32, #tpu.memory_space<vmem>> -> memref<4000xf32, #tpu.memory_space<vmem>>
        tpu.wait_dma2 semaphore(%arg19 : memref<!tpu.dma_semaphore, #tpu.memory_space<semaphore_mem>>) src(%dma_wait3A_892 : memref<4000xf32, #tpu.memory_space<vmem>>) dst(%dma_wait3A_889 : memref<4000xf32, #tpu.memory_space<hbm>>)
        %div3A_893 = arith.constant 40 : i32
        %div3A_894 = arith.divsi %add3A_851, %div3A_893 : i32
        %rem3A_895 = arith.constant 40 : i32
        %rem3A_896 = arith.remsi %add3A_851, %rem3A_895 : i32
        %mul3A_897 = arith.constant 4000 : i32
        %mul3A_898 = arith.muli %rem3A_896, %mul3A_897 : i32
        %get3A_899 = arith.index_cast %div3A_894 : i32 to index
        %get3A_900 = memref.load %arg5[%get3A_899] : memref<4xi32, #tpu.memory_space<smem>>
        %dma_start3A_901 = arith.constant 5 : i32
        %dma_start3A_902 = arith.constant 0 : i32
        %dma_start3A_903 = tpu.memref_slice %arg4[%dma_start3A_901, %dma_start3A_902] : memref<8x4000xf32, #tpu.memory_space<vmem>> -> memref<1x4000xf32, #tpu.memory_space<vmem>>
        %dma_start3A_904 = tpu.memref_squeeze %dma_start3A_903 : memref<1x4000xf32, #tpu.memory_space<vmem>> -> memref<4000xf32, #tpu.memory_space<vmem>>
        %dma_start3A_905 = tpu.memref_slice %arg2[%get3A_900, %mul3A_898] : memref<128x160000xf32, #tpu.memory_space<hbm>> -> memref<1x4000xf32, #tpu.memory_space<hbm>>
        %dma_start3A_906 = tpu.memref_squeeze %dma_start3A_905 : memref<1x4000xf32, #tpu.memory_space<hbm>> -> memref<4000xf32, #tpu.memory_space<hbm>>
        %dma_start3A_907 = arith.constant 0 : i32
        %dma_start3A_908 = tpu.memref_slice %arg4[%dma_start3A_901, %dma_start3A_907] : memref<8x4000xf32, #tpu.memory_space<vmem>> -> memref<1x4000xf32, #tpu.memory_space<vmem>>
        %dma_start3A_909 = tpu.memref_squeeze %dma_start3A_908 : memref<1x4000xf32, #tpu.memory_space<vmem>> -> memref<4000xf32, #tpu.memory_space<vmem>>
        %dma_start3A_910 = tpu.memref_slice %arg2[%get3A_900, %mul3A_898] : memref<128x160000xf32, #tpu.memory_space<hbm>> -> memref<1x4000xf32, #tpu.memory_space<hbm>>
        %dma_start3A_911 = tpu.memref_squeeze %dma_start3A_910 : memref<1x4000xf32, #tpu.memory_space<hbm>> -> memref<4000xf32, #tpu.memory_space<hbm>>
        tpu.enqueue_dma source(%dma_start3A_911 : memref<4000xf32, #tpu.memory_space<hbm>>) target(%dma_start3A_909 : memref<4000xf32, #tpu.memory_space<vmem>>) target_semaphore(%arg11 : memref<!tpu.dma_semaphore, #tpu.memory_space<semaphore_mem>>)
      } else {
      }
      %add3A_857 = arith.constant 6 : i32
      %add3A_858 = arith.addi %add3A_491, %add3A_857 : i32
      %add3A_859 = arith.constant 8 : i32
      %add3A_860 = arith.addi %add3A_858, %add3A_859 : i32
      %lt3A_861 = arith.constant 160 : i32
      %lt3A_862 = arith.cmpi slt, %add3A_860, %lt3A_861 : i32
      %convert_element_type3A_863 = arith.extui %lt3A_862 : i1 to i32
      %cond3A_864 = arith.constant 0 : i32
      %cond3A_865 = arith.cmpi ne, %convert_element_type3A_863, %cond3A_864 : i32
      scf.if %cond3A_865 {
        %div3A_875 = arith.constant 40 : i32
        %div3A_876 = arith.divsi %add3A_858, %div3A_875 : i32
        %rem3A_877 = arith.constant 40 : i32
        %rem3A_878 = arith.remsi %add3A_858, %rem3A_877 : i32
        %mul3A_879 = arith.constant 4000 : i32
        %mul3A_880 = arith.muli %rem3A_878, %mul3A_879 : i32
        %add3A_881 = arith.addi %mul3A_2, %div3A_876 : i32
        %dma_wait3A_882 = arith.constant 6 : i32
        %dma_wait3A_883 = arith.constant 0 : i32
        %dma_wait3A_884 = tpu.memref_slice %arg4[%dma_wait3A_882, %dma_wait3A_883] : memref<8x4000xf32, #tpu.memory_space<vmem>> -> memref<1x4000xf32, #tpu.memory_space<vmem>>
        %dma_wait3A_885 = tpu.memref_squeeze %dma_wait3A_884 : memref<1x4000xf32, #tpu.memory_space<vmem>> -> memref<4000xf32, #tpu.memory_space<vmem>>
        %dma_wait3A_886 = tpu.memref_slice %arg3[%add3A_881, %mul3A_880] : memref<128x160000xf32, #tpu.memory_space<hbm>> -> memref<1x4000xf32, #tpu.memory_space<hbm>>
        %dma_wait3A_887 = tpu.memref_squeeze %dma_wait3A_886 : memref<1x4000xf32, #tpu.memory_space<hbm>> -> memref<4000xf32, #tpu.memory_space<hbm>>
        %dma_wait3A_888 = tpu.memref_slice %arg3[%add3A_881, %mul3A_880] : memref<128x160000xf32, #tpu.memory_space<hbm>> -> memref<1x4000xf32, #tpu.memory_space<hbm>>
        %dma_wait3A_889 = tpu.memref_squeeze %dma_wait3A_888 : memref<1x4000xf32, #tpu.memory_space<hbm>> -> memref<4000xf32, #tpu.memory_space<hbm>>
        %dma_wait3A_890 = arith.constant 0 : i32
        %dma_wait3A_891 = tpu.memref_slice %arg4[%dma_wait3A_882, %dma_wait3A_890] : memref<8x4000xf32, #tpu.memory_space<vmem>> -> memref<1x4000xf32, #tpu.memory_space<vmem>>
        %dma_wait3A_892 = tpu.memref_squeeze %dma_wait3A_891 : memref<1x4000xf32, #tpu.memory_space<vmem>> -> memref<4000xf32, #tpu.memory_space<vmem>>
        tpu.wait_dma2 semaphore(%arg20 : memref<!tpu.dma_semaphore, #tpu.memory_space<semaphore_mem>>) src(%dma_wait3A_892 : memref<4000xf32, #tpu.memory_space<vmem>>) dst(%dma_wait3A_889 : memref<4000xf32, #tpu.memory_space<hbm>>)
        %div3A_893 = arith.constant 40 : i32
        %div3A_894 = arith.divsi %add3A_860, %div3A_893 : i32
        %rem3A_895 = arith.constant 40 : i32
        %rem3A_896 = arith.remsi %add3A_860, %rem3A_895 : i32
        %mul3A_897 = arith.constant 4000 : i32
        %mul3A_898 = arith.muli %rem3A_896, %mul3A_897 : i32
        %get3A_899 = arith.index_cast %div3A_894 : i32 to index
        %get3A_900 = memref.load %arg5[%get3A_899] : memref<4xi32, #tpu.memory_space<smem>>
        %dma_start3A_901 = arith.constant 6 : i32
        %dma_start3A_902 = arith.constant 0 : i32
        %dma_start3A_903 = tpu.memref_slice %arg4[%dma_start3A_901, %dma_start3A_902] : memref<8x4000xf32, #tpu.memory_space<vmem>> -> memref<1x4000xf32, #tpu.memory_space<vmem>>
        %dma_start3A_904 = tpu.memref_squeeze %dma_start3A_903 : memref<1x4000xf32, #tpu.memory_space<vmem>> -> memref<4000xf32, #tpu.memory_space<vmem>>
        %dma_start3A_905 = tpu.memref_slice %arg2[%get3A_900, %mul3A_898] : memref<128x160000xf32, #tpu.memory_space<hbm>> -> memref<1x4000xf32, #tpu.memory_space<hbm>>
        %dma_start3A_906 = tpu.memref_squeeze %dma_start3A_905 : memref<1x4000xf32, #tpu.memory_space<hbm>> -> memref<4000xf32, #tpu.memory_space<hbm>>
        %dma_start3A_907 = arith.constant 0 : i32
        %dma_start3A_908 = tpu.memref_slice %arg4[%dma_start3A_901, %dma_start3A_907] : memref<8x4000xf32, #tpu.memory_space<vmem>> -> memref<1x4000xf32, #tpu.memory_space<vmem>>
        %dma_start3A_909 = tpu.memref_squeeze %dma_start3A_908 : memref<1x4000xf32, #tpu.memory_space<vmem>> -> memref<4000xf32, #tpu.memory_space<vmem>>
        %dma_start3A_910 = tpu.memref_slice %arg2[%get3A_900, %mul3A_898] : memref<128x160000xf32, #tpu.memory_space<hbm>> -> memref<1x4000xf32, #tpu.memory_space<hbm>>
        %dma_start3A_911 = tpu.memref_squeeze %dma_start3A_910 : memref<1x4000xf32, #tpu.memory_space<hbm>> -> memref<4000xf32, #tpu.memory_space<hbm>>
        tpu.enqueue_dma source(%dma_start3A_911 : memref<4000xf32, #tpu.memory_space<hbm>>) target(%dma_start3A_909 : memref<4000xf32, #tpu.memory_space<vmem>>) target_semaphore(%arg12 : memref<!tpu.dma_semaphore, #tpu.memory_space<semaphore_mem>>)
      } else {
      }
      %add3A_866 = arith.constant 7 : i32
      %add3A_867 = arith.addi %add3A_491, %add3A_866 : i32
      %add3A_868 = arith.constant 8 : i32
      %add3A_869 = arith.addi %add3A_867, %add3A_868 : i32
      %lt3A_870 = arith.constant 160 : i32
      %lt3A_871 = arith.cmpi slt, %add3A_869, %lt3A_870 : i32
      %convert_element_type3A_872 = arith.extui %lt3A_871 : i1 to i32
      %cond3A_873 = arith.constant 0 : i32
      %cond3A_874 = arith.cmpi ne, %convert_element_type3A_872, %cond3A_873 : i32
      scf.if %cond3A_874 {
        %div3A_875 = arith.constant 40 : i32
        %div3A_876 = arith.divsi %add3A_867, %div3A_875 : i32
        %rem3A_877 = arith.constant 40 : i32
        %rem3A_878 = arith.remsi %add3A_867, %rem3A_877 : i32
        %mul3A_879 = arith.constant 4000 : i32
        %mul3A_880 = arith.muli %rem3A_878, %mul3A_879 : i32
        %add3A_881 = arith.addi %mul3A_2, %div3A_876 : i32
        %dma_wait3A_882 = arith.constant 7 : i32
        %dma_wait3A_883 = arith.constant 0 : i32
        %dma_wait3A_884 = tpu.memref_slice %arg4[%dma_wait3A_882, %dma_wait3A_883] : memref<8x4000xf32, #tpu.memory_space<vmem>> -> memref<1x4000xf32, #tpu.memory_space<vmem>>
        %dma_wait3A_885 = tpu.memref_squeeze %dma_wait3A_884 : memref<1x4000xf32, #tpu.memory_space<vmem>> -> memref<4000xf32, #tpu.memory_space<vmem>>
        %dma_wait3A_886 = tpu.memref_slice %arg3[%add3A_881, %mul3A_880] : memref<128x160000xf32, #tpu.memory_space<hbm>> -> memref<1x4000xf32, #tpu.memory_space<hbm>>
        %dma_wait3A_887 = tpu.memref_squeeze %dma_wait3A_886 : memref<1x4000xf32, #tpu.memory_space<hbm>> -> memref<4000xf32, #tpu.memory_space<hbm>>
        %dma_wait3A_888 = tpu.memref_slice %arg3[%add3A_881, %mul3A_880] : memref<128x160000xf32, #tpu.memory_space<hbm>> -> memref<1x4000xf32, #tpu.memory_space<hbm>>
        %dma_wait3A_889 = tpu.memref_squeeze %dma_wait3A_888 : memref<1x4000xf32, #tpu.memory_space<hbm>> -> memref<4000xf32, #tpu.memory_space<hbm>>
        %dma_wait3A_890 = arith.constant 0 : i32
        %dma_wait3A_891 = tpu.memref_slice %arg4[%dma_wait3A_882, %dma_wait3A_890] : memref<8x4000xf32, #tpu.memory_space<vmem>> -> memref<1x4000xf32, #tpu.memory_space<vmem>>
        %dma_wait3A_892 = tpu.memref_squeeze %dma_wait3A_891 : memref<1x4000xf32, #tpu.memory_space<vmem>> -> memref<4000xf32, #tpu.memory_space<vmem>>
        tpu.wait_dma2 semaphore(%arg21 : memref<!tpu.dma_semaphore, #tpu.memory_space<semaphore_mem>>) src(%dma_wait3A_892 : memref<4000xf32, #tpu.memory_space<vmem>>) dst(%dma_wait3A_889 : memref<4000xf32, #tpu.memory_space<hbm>>)
        %div3A_893 = arith.constant 40 : i32
        %div3A_894 = arith.divsi %add3A_869, %div3A_893 : i32
        %rem3A_895 = arith.constant 40 : i32
        %rem3A_896 = arith.remsi %add3A_869, %rem3A_895 : i32
        %mul3A_897 = arith.constant 4000 : i32
        %mul3A_898 = arith.muli %rem3A_896, %mul3A_897 : i32
        %get3A_899 = arith.index_cast %div3A_894 : i32 to index
        %get3A_900 = memref.load %arg5[%get3A_899] : memref<4xi32, #tpu.memory_space<smem>>
        %dma_start3A_901 = arith.constant 7 : i32
        %dma_start3A_902 = arith.constant 0 : i32
        %dma_start3A_903 = tpu.memref_slice %arg4[%dma_start3A_901, %dma_start3A_902] : memref<8x4000xf32, #tpu.memory_space<vmem>> -> memref<1x4000xf32, #tpu.memory_space<vmem>>
        %dma_start3A_904 = tpu.memref_squeeze %dma_start3A_903 : memref<1x4000xf32, #tpu.memory_space<vmem>> -> memref<4000xf32, #tpu.memory_space<vmem>>
        %dma_start3A_905 = tpu.memref_slice %arg2[%get3A_900, %mul3A_898] : memref<128x160000xf32, #tpu.memory_space<hbm>> -> memref<1x4000xf32, #tpu.memory_space<hbm>>
        %dma_start3A_906 = tpu.memref_squeeze %dma_start3A_905 : memref<1x4000xf32, #tpu.memory_space<hbm>> -> memref<4000xf32, #tpu.memory_space<hbm>>
        %dma_start3A_907 = arith.constant 0 : i32
        %dma_start3A_908 = tpu.memref_slice %arg4[%dma_start3A_901, %dma_start3A_907] : memref<8x4000xf32, #tpu.memory_space<vmem>> -> memref<1x4000xf32, #tpu.memory_space<vmem>>
        %dma_start3A_909 = tpu.memref_squeeze %dma_start3A_908 : memref<1x4000xf32, #tpu.memory_space<vmem>> -> memref<4000xf32, #tpu.memory_space<vmem>>
        %dma_start3A_910 = tpu.memref_slice %arg2[%get3A_900, %mul3A_898] : memref<128x160000xf32, #tpu.memory_space<hbm>> -> memref<1x4000xf32, #tpu.memory_space<hbm>>
        %dma_start3A_911 = tpu.memref_squeeze %dma_start3A_910 : memref<1x4000xf32, #tpu.memory_space<hbm>> -> memref<4000xf32, #tpu.memory_space<hbm>>
        tpu.enqueue_dma source(%dma_start3A_911 : memref<4000xf32, #tpu.memory_space<hbm>>) target(%dma_start3A_909 : memref<4000xf32, #tpu.memory_space<vmem>>) target_semaphore(%arg13 : memref<!tpu.dma_semaphore, #tpu.memory_space<semaphore_mem>>)
      } else {
      }
    }
    %scan3A_327 = arith.constant 20 : i32
    %div3A_328 = arith.constant 152 : i32
    %div3A_329 = arith.constant 40 : i32
    %div3A_330 = arith.divsi %div3A_328, %div3A_329 : i32
    %rem3A_331 = arith.constant 152 : i32
    %rem3A_332 = arith.constant 40 : i32
    %rem3A_333 = arith.remsi %rem3A_331, %rem3A_332 : i32
    %mul3A_334 = arith.constant 4000 : i32
    %mul3A_335 = arith.muli %rem3A_333, %mul3A_334 : i32
    %add3A_336 = arith.addi %mul3A_2, %div3A_330 : i32
    %dma_wait3A = arith.constant 0 : i32
    %dma_wait3A_337 = arith.constant 0 : i32
    %dma_wait3A_338 = tpu.memref_slice %arg4[%dma_wait3A, %dma_wait3A_337] : memref<8x4000xf32, #tpu.memory_space<vmem>> -> memref<1x4000xf32, #tpu.memory_space<vmem>>
    %dma_wait3A_339 = tpu.memref_squeeze %dma_wait3A_338 : memref<1x4000xf32, #tpu.memory_space<vmem>> -> memref<4000xf32, #tpu.memory_space<vmem>>
    %dma_wait3A_340 = tpu.memref_slice %arg3[%add3A_336, %mul3A_335] : memref<128x160000xf32, #tpu.memory_space<hbm>> -> memref<1x4000xf32, #tpu.memory_space<hbm>>
    %dma_wait3A_341 = tpu.memref_squeeze %dma_wait3A_340 : memref<1x4000xf32, #tpu.memory_space<hbm>> -> memref<4000xf32, #tpu.memory_space<hbm>>
    %dma_wait3A_342 = tpu.memref_slice %arg3[%add3A_336, %mul3A_335] : memref<128x160000xf32, #tpu.memory_space<hbm>> -> memref<1x4000xf32, #tpu.memory_space<hbm>>
    %dma_wait3A_343 = tpu.memref_squeeze %dma_wait3A_342 : memref<1x4000xf32, #tpu.memory_space<hbm>> -> memref<4000xf32, #tpu.memory_space<hbm>>
    %dma_wait3A_344 = arith.constant 0 : i32
    %dma_wait3A_345 = tpu.memref_slice %arg4[%dma_wait3A, %dma_wait3A_344] : memref<8x4000xf32, #tpu.memory_space<vmem>> -> memref<1x4000xf32, #tpu.memory_space<vmem>>
    %dma_wait3A_346 = tpu.memref_squeeze %dma_wait3A_345 : memref<1x4000xf32, #tpu.memory_space<vmem>> -> memref<4000xf32, #tpu.memory_space<vmem>>
    tpu.wait_dma2 semaphore(%arg14 : memref<!tpu.dma_semaphore, #tpu.memory_space<semaphore_mem>>) src(%dma_wait3A_346 : memref<4000xf32, #tpu.memory_space<vmem>>) dst(%dma_wait3A_343 : memref<4000xf32, #tpu.memory_space<hbm>>)
    %div3A_347 = arith.constant 153 : i32
    %div3A_348 = arith.constant 40 : i32
    %div3A_349 = arith.divsi %div3A_347, %div3A_348 : i32
    %rem3A_350 = arith.constant 153 : i32
    %rem3A_351 = arith.constant 40 : i32
    %rem3A_352 = arith.remsi %rem3A_350, %rem3A_351 : i32
    %mul3A_353 = arith.constant 4000 : i32
    %mul3A_354 = arith.muli %rem3A_352, %mul3A_353 : i32
    %add3A_355 = arith.addi %mul3A_2, %div3A_349 : i32
    %dma_wait3A_356 = arith.constant 1 : i32
    %dma_wait3A_357 = arith.constant 0 : i32
    %dma_wait3A_358 = tpu.memref_slice %arg4[%dma_wait3A_356, %dma_wait3A_357] : memref<8x4000xf32, #tpu.memory_space<vmem>> -> memref<1x4000xf32, #tpu.memory_space<vmem>>
    %dma_wait3A_359 = tpu.memref_squeeze %dma_wait3A_358 : memref<1x4000xf32, #tpu.memory_space<vmem>> -> memref<4000xf32, #tpu.memory_space<vmem>>
    %dma_wait3A_360 = tpu.memref_slice %arg3[%add3A_355, %mul3A_354] : memref<128x160000xf32, #tpu.memory_space<hbm>> -> memref<1x4000xf32, #tpu.memory_space<hbm>>
    %dma_wait3A_361 = tpu.memref_squeeze %dma_wait3A_360 : memref<1x4000xf32, #tpu.memory_space<hbm>> -> memref<4000xf32, #tpu.memory_space<hbm>>
    %dma_wait3A_362 = tpu.memref_slice %arg3[%add3A_355, %mul3A_354] : memref<128x160000xf32, #tpu.memory_space<hbm>> -> memref<1x4000xf32, #tpu.memory_space<hbm>>
    %dma_wait3A_363 = tpu.memref_squeeze %dma_wait3A_362 : memref<1x4000xf32, #tpu.memory_space<hbm>> -> memref<4000xf32, #tpu.memory_space<hbm>>
    %dma_wait3A_364 = arith.constant 0 : i32
    %dma_wait3A_365 = tpu.memref_slice %arg4[%dma_wait3A_356, %dma_wait3A_364] : memref<8x4000xf32, #tpu.memory_space<vmem>> -> memref<1x4000xf32, #tpu.memory_space<vmem>>
    %dma_wait3A_366 = tpu.memref_squeeze %dma_wait3A_365 : memref<1x4000xf32, #tpu.memory_space<vmem>> -> memref<4000xf32, #tpu.memory_space<vmem>>
    tpu.wait_dma2 semaphore(%arg15 : memref<!tpu.dma_semaphore, #tpu.memory_space<semaphore_mem>>) src(%dma_wait3A_366 : memref<4000xf32, #tpu.memory_space<vmem>>) dst(%dma_wait3A_363 : memref<4000xf32, #tpu.memory_space<hbm>>)
    %div3A_367 = arith.constant 154 : i32
    %div3A_368 = arith.constant 40 : i32
    %div3A_369 = arith.divsi %div3A_367, %div3A_368 : i32
    %rem3A_370 = arith.constant 154 : i32
    %rem3A_371 = arith.constant 40 : i32
    %rem3A_372 = arith.remsi %rem3A_370, %rem3A_371 : i32
    %mul3A_373 = arith.constant 4000 : i32
    %mul3A_374 = arith.muli %rem3A_372, %mul3A_373 : i32
    %add3A_375 = arith.addi %mul3A_2, %div3A_369 : i32
    %dma_wait3A_376 = arith.constant 2 : i32
    %dma_wait3A_377 = arith.constant 0 : i32
    %dma_wait3A_378 = tpu.memref_slice %arg4[%dma_wait3A_376, %dma_wait3A_377] : memref<8x4000xf32, #tpu.memory_space<vmem>> -> memref<1x4000xf32, #tpu.memory_space<vmem>>
    %dma_wait3A_379 = tpu.memref_squeeze %dma_wait3A_378 : memref<1x4000xf32, #tpu.memory_space<vmem>> -> memref<4000xf32, #tpu.memory_space<vmem>>
    %dma_wait3A_380 = tpu.memref_slice %arg3[%add3A_375, %mul3A_374] : memref<128x160000xf32, #tpu.memory_space<hbm>> -> memref<1x4000xf32, #tpu.memory_space<hbm>>
    %dma_wait3A_381 = tpu.memref_squeeze %dma_wait3A_380 : memref<1x4000xf32, #tpu.memory_space<hbm>> -> memref<4000xf32, #tpu.memory_space<hbm>>
    %dma_wait3A_382 = tpu.memref_slice %arg3[%add3A_375, %mul3A_374] : memref<128x160000xf32, #tpu.memory_space<hbm>> -> memref<1x4000xf32, #tpu.memory_space<hbm>>
    %dma_wait3A_383 = tpu.memref_squeeze %dma_wait3A_382 : memref<1x4000xf32, #tpu.memory_space<hbm>> -> memref<4000xf32, #tpu.memory_space<hbm>>
    %dma_wait3A_384 = arith.constant 0 : i32
    %dma_wait3A_385 = tpu.memref_slice %arg4[%dma_wait3A_376, %dma_wait3A_384] : memref<8x4000xf32, #tpu.memory_space<vmem>> -> memref<1x4000xf32, #tpu.memory_space<vmem>>
    %dma_wait3A_386 = tpu.memref_squeeze %dma_wait3A_385 : memref<1x4000xf32, #tpu.memory_space<vmem>> -> memref<4000xf32, #tpu.memory_space<vmem>>
    tpu.wait_dma2 semaphore(%arg16 : memref<!tpu.dma_semaphore, #tpu.memory_space<semaphore_mem>>) src(%dma_wait3A_386 : memref<4000xf32, #tpu.memory_space<vmem>>) dst(%dma_wait3A_383 : memref<4000xf32, #tpu.memory_space<hbm>>)
    %div3A_387 = arith.constant 155 : i32
    %div3A_388 = arith.constant 40 : i32
    %div3A_389 = arith.divsi %div3A_387, %div3A_388 : i32
    %rem3A_390 = arith.constant 155 : i32
    %rem3A_391 = arith.constant 40 : i32
    %rem3A_392 = arith.remsi %rem3A_390, %rem3A_391 : i32
    %mul3A_393 = arith.constant 4000 : i32
    %mul3A_394 = arith.muli %rem3A_392, %mul3A_393 : i32
    %add3A_395 = arith.addi %mul3A_2, %div3A_389 : i32
    %dma_wait3A_396 = arith.constant 3 : i32
    %dma_wait3A_397 = arith.constant 0 : i32
    %dma_wait3A_398 = tpu.memref_slice %arg4[%dma_wait3A_396, %dma_wait3A_397] : memref<8x4000xf32, #tpu.memory_space<vmem>> -> memref<1x4000xf32, #tpu.memory_space<vmem>>
    %dma_wait3A_399 = tpu.memref_squeeze %dma_wait3A_398 : memref<1x4000xf32, #tpu.memory_space<vmem>> -> memref<4000xf32, #tpu.memory_space<vmem>>
    %dma_wait3A_400 = tpu.memref_slice %arg3[%add3A_395, %mul3A_394] : memref<128x160000xf32, #tpu.memory_space<hbm>> -> memref<1x4000xf32, #tpu.memory_space<hbm>>
    %dma_wait3A_401 = tpu.memref_squeeze %dma_wait3A_400 : memref<1x4000xf32, #tpu.memory_space<hbm>> -> memref<4000xf32, #tpu.memory_space<hbm>>
    %dma_wait3A_402 = tpu.memref_slice %arg3[%add3A_395, %mul3A_394] : memref<128x160000xf32, #tpu.memory_space<hbm>> -> memref<1x4000xf32, #tpu.memory_space<hbm>>
    %dma_wait3A_403 = tpu.memref_squeeze %dma_wait3A_402 : memref<1x4000xf32, #tpu.memory_space<hbm>> -> memref<4000xf32, #tpu.memory_space<hbm>>
    %dma_wait3A_404 = arith.constant 0 : i32
    %dma_wait3A_405 = tpu.memref_slice %arg4[%dma_wait3A_396, %dma_wait3A_404] : memref<8x4000xf32, #tpu.memory_space<vmem>> -> memref<1x4000xf32, #tpu.memory_space<vmem>>
    %dma_wait3A_406 = tpu.memref_squeeze %dma_wait3A_405 : memref<1x4000xf32, #tpu.memory_space<vmem>> -> memref<4000xf32, #tpu.memory_space<vmem>>
    tpu.wait_dma2 semaphore(%arg17 : memref<!tpu.dma_semaphore, #tpu.memory_space<semaphore_mem>>) src(%dma_wait3A_406 : memref<4000xf32, #tpu.memory_space<vmem>>) dst(%dma_wait3A_403 : memref<4000xf32, #tpu.memory_space<hbm>>)
    %div3A_407 = arith.constant 156 : i32
    %div3A_408 = arith.constant 40 : i32
    %div3A_409 = arith.divsi %div3A_407, %div3A_408 : i32
    %rem3A_410 = arith.constant 156 : i32
    %rem3A_411 = arith.constant 40 : i32
    %rem3A_412 = arith.remsi %rem3A_410, %rem3A_411 : i32
    %mul3A_413 = arith.constant 4000 : i32
    %mul3A_414 = arith.muli %rem3A_412, %mul3A_413 : i32
    %add3A_415 = arith.addi %mul3A_2, %div3A_409 : i32
    %dma_wait3A_416 = arith.constant 4 : i32
    %dma_wait3A_417 = arith.constant 0 : i32
    %dma_wait3A_418 = tpu.memref_slice %arg4[%dma_wait3A_416, %dma_wait3A_417] : memref<8x4000xf32, #tpu.memory_space<vmem>> -> memref<1x4000xf32, #tpu.memory_space<vmem>>
    %dma_wait3A_419 = tpu.memref_squeeze %dma_wait3A_418 : memref<1x4000xf32, #tpu.memory_space<vmem>> -> memref<4000xf32, #tpu.memory_space<vmem>>
    %dma_wait3A_420 = tpu.memref_slice %arg3[%add3A_415, %mul3A_414] : memref<128x160000xf32, #tpu.memory_space<hbm>> -> memref<1x4000xf32, #tpu.memory_space<hbm>>
    %dma_wait3A_421 = tpu.memref_squeeze %dma_wait3A_420 : memref<1x4000xf32, #tpu.memory_space<hbm>> -> memref<4000xf32, #tpu.memory_space<hbm>>
    %dma_wait3A_422 = tpu.memref_slice %arg3[%add3A_415, %mul3A_414] : memref<128x160000xf32, #tpu.memory_space<hbm>> -> memref<1x4000xf32, #tpu.memory_space<hbm>>
    %dma_wait3A_423 = tpu.memref_squeeze %dma_wait3A_422 : memref<1x4000xf32, #tpu.memory_space<hbm>> -> memref<4000xf32, #tpu.memory_space<hbm>>
    %dma_wait3A_424 = arith.constant 0 : i32
    %dma_wait3A_425 = tpu.memref_slice %arg4[%dma_wait3A_416, %dma_wait3A_424] : memref<8x4000xf32, #tpu.memory_space<vmem>> -> memref<1x4000xf32, #tpu.memory_space<vmem>>
    %dma_wait3A_426 = tpu.memref_squeeze %dma_wait3A_425 : memref<1x4000xf32, #tpu.memory_space<vmem>> -> memref<4000xf32, #tpu.memory_space<vmem>>
    tpu.wait_dma2 semaphore(%arg18 : memref<!tpu.dma_semaphore, #tpu.memory_space<semaphore_mem>>) src(%dma_wait3A_426 : memref<4000xf32, #tpu.memory_space<vmem>>) dst(%dma_wait3A_423 : memref<4000xf32, #tpu.memory_space<hbm>>)
    %div3A_427 = arith.constant 157 : i32
    %div3A_428 = arith.constant 40 : i32
    %div3A_429 = arith.divsi %div3A_427, %div3A_428 : i32
    %rem3A_430 = arith.constant 157 : i32
    %rem3A_431 = arith.constant 40 : i32
    %rem3A_432 = arith.remsi %rem3A_430, %rem3A_431 : i32
    %mul3A_433 = arith.constant 4000 : i32
    %mul3A_434 = arith.muli %rem3A_432, %mul3A_433 : i32
    %add3A_435 = arith.addi %mul3A_2, %div3A_429 : i32
    %dma_wait3A_436 = arith.constant 5 : i32
    %dma_wait3A_437 = arith.constant 0 : i32
    %dma_wait3A_438 = tpu.memref_slice %arg4[%dma_wait3A_436, %dma_wait3A_437] : memref<8x4000xf32, #tpu.memory_space<vmem>> -> memref<1x4000xf32, #tpu.memory_space<vmem>>
    %dma_wait3A_439 = tpu.memref_squeeze %dma_wait3A_438 : memref<1x4000xf32, #tpu.memory_space<vmem>> -> memref<4000xf32, #tpu.memory_space<vmem>>
    %dma_wait3A_440 = tpu.memref_slice %arg3[%add3A_435, %mul3A_434] : memref<128x160000xf32, #tpu.memory_space<hbm>> -> memref<1x4000xf32, #tpu.memory_space<hbm>>
    %dma_wait3A_441 = tpu.memref_squeeze %dma_wait3A_440 : memref<1x4000xf32, #tpu.memory_space<hbm>> -> memref<4000xf32, #tpu.memory_space<hbm>>
    %dma_wait3A_442 = tpu.memref_slice %arg3[%add3A_435, %mul3A_434] : memref<128x160000xf32, #tpu.memory_space<hbm>> -> memref<1x4000xf32, #tpu.memory_space<hbm>>
    %dma_wait3A_443 = tpu.memref_squeeze %dma_wait3A_442 : memref<1x4000xf32, #tpu.memory_space<hbm>> -> memref<4000xf32, #tpu.memory_space<hbm>>
    %dma_wait3A_444 = arith.constant 0 : i32
    %dma_wait3A_445 = tpu.memref_slice %arg4[%dma_wait3A_436, %dma_wait3A_444] : memref<8x4000xf32, #tpu.memory_space<vmem>> -> memref<1x4000xf32, #tpu.memory_space<vmem>>
    %dma_wait3A_446 = tpu.memref_squeeze %dma_wait3A_445 : memref<1x4000xf32, #tpu.memory_space<vmem>> -> memref<4000xf32, #tpu.memory_space<vmem>>
    tpu.wait_dma2 semaphore(%arg19 : memref<!tpu.dma_semaphore, #tpu.memory_space<semaphore_mem>>) src(%dma_wait3A_446 : memref<4000xf32, #tpu.memory_space<vmem>>) dst(%dma_wait3A_443 : memref<4000xf32, #tpu.memory_space<hbm>>)
    %div3A_447 = arith.constant 158 : i32
    %div3A_448 = arith.constant 40 : i32
    %div3A_449 = arith.divsi %div3A_447, %div3A_448 : i32
    %rem3A_450 = arith.constant 158 : i32
    %rem3A_451 = arith.constant 40 : i32
    %rem3A_452 = arith.remsi %rem3A_450, %rem3A_451 : i32
    %mul3A_453 = arith.constant 4000 : i32
    %mul3A_454 = arith.muli %rem3A_452, %mul3A_453 : i32
    %add3A_455 = arith.addi %mul3A_2, %div3A_449 : i32
    %dma_wait3A_456 = arith.constant 6 : i32
    %dma_wait3A_457 = arith.constant 0 : i32
    %dma_wait3A_458 = tpu.memref_slice %arg4[%dma_wait3A_456, %dma_wait3A_457] : memref<8x4000xf32, #tpu.memory_space<vmem>> -> memref<1x4000xf32, #tpu.memory_space<vmem>>
    %dma_wait3A_459 = tpu.memref_squeeze %dma_wait3A_458 : memref<1x4000xf32, #tpu.memory_space<vmem>> -> memref<4000xf32, #tpu.memory_space<vmem>>
    %dma_wait3A_460 = tpu.memref_slice %arg3[%add3A_455, %mul3A_454] : memref<128x160000xf32, #tpu.memory_space<hbm>> -> memref<1x4000xf32, #tpu.memory_space<hbm>>
    %dma_wait3A_461 = tpu.memref_squeeze %dma_wait3A_460 : memref<1x4000xf32, #tpu.memory_space<hbm>> -> memref<4000xf32, #tpu.memory_space<hbm>>
    %dma_wait3A_462 = tpu.memref_slice %arg3[%add3A_455, %mul3A_454] : memref<128x160000xf32, #tpu.memory_space<hbm>> -> memref<1x4000xf32, #tpu.memory_space<hbm>>
    %dma_wait3A_463 = tpu.memref_squeeze %dma_wait3A_462 : memref<1x4000xf32, #tpu.memory_space<hbm>> -> memref<4000xf32, #tpu.memory_space<hbm>>
    %dma_wait3A_464 = arith.constant 0 : i32
    %dma_wait3A_465 = tpu.memref_slice %arg4[%dma_wait3A_456, %dma_wait3A_464] : memref<8x4000xf32, #tpu.memory_space<vmem>> -> memref<1x4000xf32, #tpu.memory_space<vmem>>
    %dma_wait3A_466 = tpu.memref_squeeze %dma_wait3A_465 : memref<1x4000xf32, #tpu.memory_space<vmem>> -> memref<4000xf32, #tpu.memory_space<vmem>>
    tpu.wait_dma2 semaphore(%arg20 : memref<!tpu.dma_semaphore, #tpu.memory_space<semaphore_mem>>) src(%dma_wait3A_466 : memref<4000xf32, #tpu.memory_space<vmem>>) dst(%dma_wait3A_463 : memref<4000xf32, #tpu.memory_space<hbm>>)
    %div3A_467 = arith.constant 159 : i32
    %div3A_468 = arith.constant 40 : i32
    %div3A_469 = arith.divsi %div3A_467, %div3A_468 : i32
    %rem3A_470 = arith.constant 159 : i32
    %rem3A_471 = arith.constant 40 : i32
    %rem3A_472 = arith.remsi %rem3A_470, %rem3A_471 : i32
    %mul3A_473 = arith.constant 4000 : i32
    %mul3A_474 = arith.muli %rem3A_472, %mul3A_473 : i32
    %add3A_475 = arith.addi %mul3A_2, %div3A_469 : i32
    %dma_wait3A_476 = arith.constant 7 : i32
    %dma_wait3A_477 = arith.constant 0 : i32
    %dma_wait3A_478 = tpu.memref_slice %arg4[%dma_wait3A_476, %dma_wait3A_477] : memref<8x4000xf32, #tpu.memory_space<vmem>> -> memref<1x4000xf32, #tpu.memory_space<vmem>>
    %dma_wait3A_479 = tpu.memref_squeeze %dma_wait3A_478 : memref<1x4000xf32, #tpu.memory_space<vmem>> -> memref<4000xf32, #tpu.memory_space<vmem>>
    %dma_wait3A_480 = tpu.memref_slice %arg3[%add3A_475, %mul3A_474] : memref<128x160000xf32, #tpu.memory_space<hbm>> -> memref<1x4000xf32, #tpu.memory_space<hbm>>
    %dma_wait3A_481 = tpu.memref_squeeze %dma_wait3A_480 : memref<1x4000xf32, #tpu.memory_space<hbm>> -> memref<4000xf32, #tpu.memory_space<hbm>>
    %dma_wait3A_482 = tpu.memref_slice %arg3[%add3A_475, %mul3A_474] : memref<128x160000xf32, #tpu.memory_space<hbm>> -> memref<1x4000xf32, #tpu.memory_space<hbm>>
    %dma_wait3A_483 = tpu.memref_squeeze %dma_wait3A_482 : memref<1x4000xf32, #tpu.memory_space<hbm>> -> memref<4000xf32, #tpu.memory_space<hbm>>
    %dma_wait3A_484 = arith.constant 0 : i32
    %dma_wait3A_485 = tpu.memref_slice %arg4[%dma_wait3A_476, %dma_wait3A_484] : memref<8x4000xf32, #tpu.memory_space<vmem>> -> memref<1x4000xf32, #tpu.memory_space<vmem>>
    %dma_wait3A_486 = tpu.memref_squeeze %dma_wait3A_485 : memref<1x4000xf32, #tpu.memory_space<vmem>> -> memref<4000xf32, #tpu.memory_space<vmem>>
    tpu.wait_dma2 semaphore(%arg21 : memref<!tpu.dma_semaphore, #tpu.memory_space<semaphore_mem>>) src(%dma_wait3A_486 : memref<4000xf32, #tpu.memory_space<vmem>>) dst(%dma_wait3A_483 : memref<4000xf32, #tpu.memory_space<hbm>>)
    return
  }
}

</mosaic_0001>

<sc_bundles>
// kernel: kernel.3.cloned.1.call-start
scs
__scs_entry_jumppad:
0x0: {  	(pc) =	sbr.rel $0x88, $3  }
0x1: {  	(tag) =	ssettag $0x0;
	lr =	simm.s32 $0x1  }
0x2: {  	[smem:$0x3FA0] =	sst lr;
	_ =	strace $0xD0000000  }
0x3: {  	_ = 	snop  }
0x4: {  	_ = 	snop  }
0x5: {  	_ = 	snop  }
0x6: {  	_ = 	snop  }
0x7: {  	_ = 	snop  }
__scs_overlays_trampoline_lowered:
0x8: {  	[smem:$0x3FAF] =	sst s0  }
0x9: {  	[smem:$0x3FB0] =	sst s1  }
0xa: {  	[smem:$0x3FB1] =	sst s2  }
0xb: {  	[smem:$0x3FB2] =	sst s3  }
0xc: {  	[smem:$0x3FB3] =	sst s4  }
0xd: {  	[smem:$0x3FB4] =	sst s5  }
0xe: {  	[smem:$0x3FB5] =	sst s6  }
0xf: {  	[smem:$0x3FB6] =	sst s7  }
0x10: {  	[smem:$0x3FB7] =	sst s8  }
0x11: {  	[smem:$0x3FB8] =	sst s9;
	s0 =	simm.s32 @!p0 $0x0  }
0x12: {  	s1 =	sld [smem:$0x3F9E];
	s0 =	simm.s32 @p0 $0x1  }
0x13: {  	[smem:$0x3FB9] =	sst s0;
	s0 =	simm.s32 @!p1 $0x0  }
0x14: {  	s2 =	sld [smem:$0x3F9D];
	s0 =	simm.s32 @p1 $0x1  }
0x15: {  	[smem:$0x3FBA] =	sst s0;
	s0 =	simm.s32 @!p2 $0x0  }
0x16: {  	s3 =	sld [smem:$0x3FDB];
	s0 =	simm.s32 @p2 $0x1  }
0x17: {  	s4 =	simm.s32 $0x1BF5;
	[smem:$0x3FBC] =	sst s0  }
0x18: {  	s0 =	sld [smem:$0x3F9F];
	_ =	swait.ge [sflag:s4], $0x0  }
0x19: {  	s7 =	sld [smem:$0x3FA0]  }
0x1a: {  	s8 =	sadd.s32 $0xFFFFE003, lr  }
0x1b: {  	s9 =	sadd.s32 $0xFFFFFEF7, lr;
	s5 =	simm.s32 $0xFFFFFFFF;
	p2 =	slt.u32 s8, $0xFFFFF086  }
0x1c: {  	p1 =	slt.u32 s9, $0xF7A;
	s5 =	simm.s32 @!p2 $0x0  }
0x1d: {  	s5 =	simm.s32 @p1 $0x1;
	p0 =	seq.s32 s7, s2  }
0x1e: {  	s7 =	smul.u32 @!p0 $0xF7A, s2;
	p2 =	seq.s32 @!p0 s5, $0x0  }
0x1f: {  	s9 =	smul.u32 $0xF7A, s1;
	s8 =	simm.s32 @!p0 $0x1BF5;
	p2 =	por !p2, p0  }
0x20: {  	[sflag:s8] =	ssyncset.s32 @!p0 $0xFFFFF086;
	s6 =	sadd.s32 @!p0 s3, s7;
	s7 =	simm.s32 @!p0 $0x108  }
0x21: {  	s3 =	sadd.s32 s3, s9;
	s6 =	sadd.s32 @!p0 $0x88, s6;
	s7 =	simm.s32 @p2 $0x1082  }
0x22: {  	[simem:s7], [sflag:s8] =	dma.local @!p0 [hbm:s6], $0xF7A  }
0x23: {  	s9 =	sor.u32 $0xD0000000, s2;
	s6 =	simm.s32 $0x108;
	_ =	swait.ge @!p0 [sflag:s8], $0x0  }
0x24: {  	s3 =	sadd.s32 $0x88, s3;
	s6 =	simm.s32 @!p1 $0x1082;
	[sflag:s4] =	ssyncset.s32 $0xFFFFF086  }
0x25: {  	[simem:s6], [sflag:s4] =	dma.local [hbm:s3], $0xF7A  }
0x26: {  	[smem:$0x3FA0] =	sst s1;
	(tag) =	ssettag s2;
	_ =	strace s9  }
0x27: {  	s1 =	sld [smem:$0x3FB0]  }
0x28: {  	s2 =	sld [smem:$0x3FB1]  }
0x29: {  	s4 =	sld [smem:$0x3FB3]  }
0x2a: {  	p0 =	seq.s32 s5, $0x0;
	s5 =	sld [smem:$0x3FB4]  }
0x2b: {  	s6 =	sld [smem:$0x3FB5]  }
0x2c: {  	s7 =	sld [smem:$0x3FB6]  }
0x2d: {  	s3 =	simm.s32 $0x108;
	s8 =	sld [smem:$0x3FB7]  }
0x2e: {  	s3 =	simm.s32 @!p0 $0x1082;
	s9 =	sld [smem:$0x3FB8]  }
0x2f: {  	lr =	sadd.s32 s0, s3;
	s0 =	sld [smem:$0x3FAF]  }
0x30: {  	s3 =	sld [smem:$0x3FB2]  }
0x31: {  	[smem:$0x3FBB] =	sst s10  }
0x32: {  	s10 =	sld [smem:$0x3FB9];
	_ =	sdelay $0x3  }
0x33: {  	p0 =	seq.s32 s10, $0x1;
	s10 =	sld [smem:$0x3FBB];
	_ =	sdelay $0x3  }
0x34: {  	[smem:$0x3FBB] =	sst s10  }
0x35: {  	s10 =	sld [smem:$0x3FBA];
	_ =	sdelay $0x3  }
0x36: {  	p1 =	seq.s32 s10, $0x1;
	s10 =	sld [smem:$0x3FBB];
	_ =	sdelay $0x3  }
0x37: {  	[smem:$0x3FBB] =	sst s10  }
0x38: {  	s10 =	sld [smem:$0x3FBC]  }
0x39: {  	_ = 	snop;
	(pc) =	sbr.ind lr, $3  }
0x3a: {  	_ = 	snop  }
0x3b: {  	_ = 	snop  }
0x3c: {  	p2 =	seq.s32 s10, $0x1;
	s10 =	sld [smem:$0x3FBB]  }
0x3d: {  	_ =	shalt  }
0x3e: {  	_ =	shalt  }
0x3f: {  	_ =	shalt  }
0x40: {  	_ =	shalt  }
0x41: {  	_ =	shalt  }
0x42: {  	_ =	shalt  }
0x43: {  	_ =	shalt  }
0x44: {  	_ =	shalt  }
0x45: {  	_ =	shalt  }
0x46: {  	_ =	shalt  }
0x47: {  	_ =	shalt  }
0x48: {  	_ =	shalt  }
0x49: {  	_ =	shalt  }
0x4a: {  	_ =	shalt  }
0x4b: {  	_ =	shalt  }
0x4c: {  	_ =	shalt  }
0x4d: {  	_ =	shalt  }
0x4e: {  	_ =	shalt  }
0x4f: {  	_ =	shalt  }
0x50: {  	_ =	shalt  }
0x51: {  	_ =	shalt  }
0x52: {  	_ =	shalt  }
0x53: {  	_ =	shalt  }
0x54: {  	_ =	shalt  }
0x55: {  	_ =	shalt  }
0x56: {  	_ =	shalt  }
0x57: {  	_ =	shalt  }
0x58: {  	_ =	shalt  }
0x59: {  	_ =	shalt  }
0x5a: {  	_ =	shalt  }
0x5b: {  	_ =	shalt  }
0x5c: {  	_ =	shalt  }
0x5d: {  	_ =	shalt  }
0x5e: {  	_ =	shalt  }
0x5f: {  	_ =	shalt  }
0x60: {  	_ =	shalt  }
0x61: {  	_ =	shalt  }
0x62: {  	_ =	shalt  }
0x63: {  	_ =	shalt  }
0x64: {  	_ =	shalt  }
0x65: {  	_ =	shalt  }
0x66: {  	_ =	shalt  }
0x67: {  	_ =	shalt  }
0x68: {  	_ =	shalt  }
0x69: {  	_ =	shalt  }
0x6a: {  	_ =	shalt  }
0x6b: {  	_ =	shalt  }
0x6c: {  	_ =	shalt  }
0x6d: {  	_ =	shalt  }
0x6e: {  	_ =	shalt  }
0x6f: {  	_ =	shalt  }
0x70: {  	_ =	shalt  }
0x71: {  	_ =	shalt  }
0x72: {  	_ =	shalt  }
0x73: {  	_ =	shalt  }
0x74: {  	_ =	shalt  }
0x75: {  	_ =	shalt  }
0x76: {  	_ =	shalt  }
0x77: {  	_ =	shalt  }
0x78: {  	_ =	shalt  }
0x79: {  	_ =	shalt  }
0x7a: {  	_ =	shalt  }
0x7b: {  	_ =	shalt  }
0x7c: {  	_ =	shalt  }
0x7d: {  	_ =	shalt  }
0x7e: {  	_ =	shalt  }
0x7f: {  	_ =	shalt  }
0x80: {  	_ =	shalt  }
0x81: {  	_ =	shalt  }
0x82: {  	_ =	shalt  }
0x83: {  	_ =	shalt  }
0x84: {  	_ =	shalt  }
0x85: {  	_ =	shalt  }
0x86: {  	_ =	shalt  }
0x87: {  	_ =	shalt  }
.Lfunc_end0:
.L_simem_size_0:
called_computation_lowered:
.L_overlay_start_0:
0x88: {  	s2 =	sld [smem:$0x3FD9]  }
0x89: {  	s3 =	sld [smem:$0x3FFE];
	_ =	sdelay $0x1  }
0x8a: {  	s1 =	srdreg.scid  }
0x8b: {  	s0 =	sand.u32 $0x1, s1  }
0x8c: {  	s18 =	sshll.u32 s0, $0xA;
	s2 =	sadd.s32 s3, s2  }
0x8d: {  	s2 =	sadd.s32 s2, s18  }
0x8e: {  	[smem:$0x3FC7] =	sst s2  }
0x8f: {  	_ = 	snop  }
0x90: {  	s2 =	sld [smem:$0x3FC9]  }
0x91: {  	s19 =	sld [smem:$0x3FD0];
	(tm) =	ssettm $0x1  }
0x92: {  	s4 =	sld [smem:$0x3FFB];
	_ =	sdelay $0x3  }
0x93: {  	_ =	strace s4  }
0x94: {  	s4 =	sld [smem:$0x3FFC];
	_ =	sdelay $0x3  }
0x95: {  	_ =	strace s4  }
0x96: {  	s4 =	sld [smem:$0x3FFD];
	_ =	sdelay $0x3  }
0x97: {  	_ =	strace s4  }
0x98: {  	_ =	strace $0x8FFFFFFF  }
0x99: {  	s20 =	sld [smem:$0x3FDB];
	_ =	sdelay $0x1  }
0x9a: {  	s5 =	simm.s32 $_scs_section_size  }
0x9b: {  	s6 =	simm.s32 $_size__tile_overlayer_lowered;
	s7 =	simm.s32 $_tile_overlayer_lowered  }
0x9c: {  	s23 =	simm.s32 $0x1BFF;
	s22 =	sshll.u32 s7, $0x1;
	s4 =	sadd.s32 s5, s20  }
0x9d: {  	s8 =	simm.s32 $0x0;
	s21 =	sshll.u32 s6, $0x1;
	s6 =	sadd.s32 s22, s4  }
0x9e: {  	[timem:s8], [sflag:s23] =	dma.local [hbm:s6], s21  }
0x9f: {  	_ =	swait.ge [sflag:s23], s21  }
0xa0: {  	s5 =	ssub.s32 $0x0, s21;
	[sflag:s23] =	ssyncset.done $0x0  }
0xa1: {  	[sflag:s23] =	ssyncadd.s32 s5;
	_ =	sdelay $0x1  }
0xa2: {  	s24 =	simm.s32 $0x1B8B  }
0xa3: {  	_ =	swait.ge [sflag:s24], $0x1  }
0xa4: {  	[sflag:s24] =	ssyncset.done $0x0  }
0xa5: {  	s25 =	simm.s32 $0x1B8E;
	[sflag:s24] =	ssyncadd.s32 $0xFFFFFFFF  }
0xa6: {  	s26 =	simm.s32 $execute0_lowered;
	[smem:$0x3FD2] =	sst s25  }
0xa7: {  	s5 =	sshll.u32 s26, $0x1;
	_ =	strace $0x80000046;
	[dreg:$0x1] =	wrdreg $0xFFFFFFFF  }
0xa8: {  	s28 =	simm.s32 $_size_execute0_lowered;
	s4 =	sadd.s32 s4, s5;
	[dreg:$0x0] =	wrdreg $0x0  }
0xa9: {  	s5 =	sshll.u32 s28, $0x1;
	[dreg:$0x2] =	wrdreg s4  }
0xaa: {  	[dreg:$0x3] =	wrdreg s5  }
0xab: {  	[dreg:$0x4] =	wrdreg $0xC0  }
0xac: {  	_ =	task [dreg:s8], $0x5FFFF  }
0xad: {  	[dreg:$0x1] =	wrdreg $0xFFFFFFFF  }
0xae: {  	[dreg:$0x0] =	wrdreg $0x60  }
0xaf: {  	[dreg:$0x2] =	wrdreg s2  }
0xb0: {  	[dreg:$0x3] =	wrdreg s19  }
0xb1: {  	[dreg:$0x4] =	wrdreg $0x9  }
0xb2: {  	_ =	task.clear_ibuf [dreg:s8], $0x5FFFF;
	_ =	strace $0x90000046  }
0xb3: {  	s29 =	simm.s32 $0x9;
	_ =	strace $0x80000048  }
0xb4: {  	_ =	swait.ge [sflag:s29], $0x1  }
0xb5: {  	[sflag:s29] =	ssyncadd.s32 $0xFFFFFFFF  }
0xb6: {  	_ =	strace $0x90000048  }
0xb7: {  	_ =	sfence  }
0xb8: {  	s30 =	sld [smem:$0x0];
	_ =	sdelay $0x2  }
0xb9: {  	s31 =	sshll.u32 s1, $0xD;
	s1 =	sshrl.u32 s1, $0x2  }
0xba: {  	s3 =	sand.u32 $0x4000, s31;
	s1 =	sadd.s32 s1, s30  }
0xbb: {  	s0 =	sor.u32 s3, s0;
	s1 =	sshll.u32 s1, $0x11  }
0xbc: {  	s0 =	sor.u32 s1, s0  }
0xbd: {  	s0 =	sadd.s32 $0x8F2B, s0  }
0xbe: {  	[sflag:s0] =	ssyncadd.remote.s32 $0x1  }
0xbf: {  	_ =	sfence.sel $0xFFFF  }
0xc0: {  	[dreg:$0x0] =	wrdreg $0xFFFFFFFF;
	(pc) =	sbr.abs _section_cstart, $3  }
0xc1: {  	[dreg:$0x1] =	wrdreg $0xFFFFFFFF  }
0xc2: {  	_ =	task.clear_ibuf [dreg:s8], $0x2FFFF;
	_ =	strace $0x9FFFFFFF  }
0xc3: {  	(tm) =	ssettm $0x7FFFFFFF  }
tec
execute0_lowered:
.L_overlay_start_1:
0x0: {  	(tag) =	ssettag $0x1  }
0x1: {  	s1 =	rddreg [dreg:$0x0]  }
0x2: {  	s3 =	rddreg [dreg:$0x1]  }
0x3: {  	s0 =	srdreg.scid;
	s4 =	simm.s32 $0x0;
	s5 =	stileid.u32  }
0x4: {  	s10 =	simm.s32 $0xFA0;
	s0 =	sand.u32 $0x1, s0;
	s5 =	sshll.u32 s5, $0x1  }
0x5: {  	s11 =	simm.s32 $0x1F40;
	s2 =	ssub.s32 $0x2, s0;
	s5 =	sor.u32 s0, s5  }
0x6: {  	s12 =	simm.s32 $0x2EE0;
	s6 =	sshrl.u32 s2, $0x1;
	p1 =	sgt.s32 s5, $0x1  }
0x7: {  	s9 =	simm.s32 $0x5DC0;
	s25 =	ssub.s32 s2, s6;
	p0 =	seq.s32 @p1 s5, $0x2  }
0x8: {  	[smem:$0x7FF] =	sst s4;
	s0 =	smax.u32 s25, $0x1;
	p0 =	por !p0, !p1  }
0x9: {  	_ =	strace $0x80000047;
	[dreg:$0x5] =	wrdreg s0;
	s0 =	simm.s32 @!p0 $0x0  }
0xa: {  	s16 =	simm.s32 $0x6D60;
	s19 =	simm.s32 $0x4;
	s0 =	simm.s32 @p0 $0x1  }
0xb: {  	p0 =	seq.s32 @!p1 s5, $0x0;
	[smem:$0x7F2] =	sst s0;
	s0 =	simm.s32 @!p1 $0x0  }
0xc: {  	s20 =	simm.s32 $0x5;
	p0 =	por !p0, p1;
	s0 =	simm.s32 @p1 $0x1  }
0xd: {  	p2 =	sgt.s32 s5, $0x5;
	[smem:$0x7F3] =	sst s0;
	s0 =	simm.s32 @!p0 $0x0  }
0xe: {  	s21 =	simm.s32 $0x7;
	s0 =	simm.s32 @p0 $0x1;
	p0 =	seq.s32 @p2 s5, $0x6  }
0xf: {  	s22 =	simm.s32 $0x8;
	s23 =	simm.s32 $0x9;
	p0 =	por !p0, !p2  }
0x10: {  	s24 =	simm.s32 $0xA;
	[smem:$0x7F4] =	sst s0;
	s0 =	simm.s32 @!p0 $0x0  }
0x11: {  	s28 =	simm.s32 $0xD;
	s29 =	simm.s32 $0xE;
	s0 =	simm.s32 @p0 $0x1  }
0x12: {  	p0 =	seq.s32 @!p2 s5, $0x4;
	[smem:$0x7F5] =	sst s0;
	s0 =	simm.s32 @!p2 $0x0  }
0x13: {  	p4 =	sgt.s32 s5, $0x9;
	p0 =	por !p0, p2;
	s0 =	simm.s32 @p2 $0x1  }
0x14: {  	p6 =	sgt.s32 s5, $0xD;
	[smem:$0x7F6] =	sst s0;
	s0 =	simm.s32 @!p0 $0x0  }
0x15: {  	[dreg:$0x3] =	wrdreg s5;
	p1 =	seq.s32 @p4 s5, $0xA;
	s0 =	simm.s32 @p0 $0x1  }
0x16: {  	p3 =	por !p1, !p4;
	[smem:$0x7F7] =	sst s0;
	s0 =	simm.s32 @!p4 $0x0  }
0x17: {  	p1 =	seq.s32 @p6 s5, $0xE;
	p0 =	seq.s32 @!p4 s5, $0x8;
	s0 =	simm.s32 @p4 $0x1  }
0x18: {  	p2 =	por !p0, p4;
	[smem:$0x7F8] =	sst s0;
	s0 =	simm.s32 @!p6 $0x0  }
0x19: {  	p4 =	por !p1, !p6;
	p1 =	sgt.s32 s5, $0x7;
	s0 =	simm.s32 @p6 $0x1  }
0x1a: {  	s26 =	sshll.u32 s5, $0x2;
	[smem:$0x7F9] =	sst s0;
	s0 =	simm.s32 @!p1 $0x0  }
0x1b: {  	[dreg:$0x4] =	wrdreg s26;
	s0 =	simm.s32 @p1 $0x1;
	p1 =	sgt.s32 s5, $0x3  }
0x1c: {  	s30 =	simm.s32 $0xF;
	[smem:$0x7FA] =	sst s0;
	s0 =	simm.s32 @!p1 $0x0  }
0x1d: {  	p5 =	seq.s32 @!p6 s5, $0xC;
	s0 =	simm.s32 @p1 $0x1;
	p1 =	sgt.s32 s5, $0xB  }
.Ltmp0:
0x1e: {  	[smem:$0x7FB] =	sst s0;
	s0 =	simm.s32 @!p1 $0x0;
	(pc) =	sbr.rel .LBB2_1-.Ltmp0, $4  }
0x1f: {  	p0 =	por !p5, p6;
	p5 =	sgt.s32 s5, $0xF;
	s0 =	simm.s32 @p1 $0x1  }
0x20: {  	s31 =	simm.s32 $0x10;
	[smem:$0x7FC] =	sst s0;
	s0 =	simm.s32 @!p5 $0x0  }
0x21: {  	s6 =	simm.s32 $0x3E80;
	s26 =	simm.s32 $0xC;
	s0 =	simm.s32 @p5 $0x1  }
0x22: {  	s2 =	simm.s32 $0x0;
	s25 =	simm.s32 $0xB;
	[smem:$0x7FD] =	sst s0  }
.LBB2_19:
0x23: {  	_ =	swait.ge [sflag:s24], $0xFA0  }
0x24: {  	[sflag:s24] =	ssyncset.done $0x0  }
0x25: {  	[sflag:s24] =	ssyncadd.s32 $0xFFFFF060  }
0x26: {  	_ =	swait.ge [sflag:s25], $0xFA0  }
0x27: {  	[sflag:s25] =	ssyncset.done $0x0  }
0x28: {  	[sflag:s25] =	ssyncadd.s32 $0xFFFFF060  }
0x29: {  	_ =	swait.ge [sflag:s26], $0xFA0  }
0x2a: {  	[sflag:s26] =	ssyncset.done $0x0  }
0x2b: {  	[sflag:s26] =	ssyncadd.s32 $0xFFFFF060  }
0x2c: {  	_ =	swait.ge [sflag:s28], $0xFA0  }
0x2d: {  	[sflag:s28] =	ssyncset.done $0x0  }
0x2e: {  	[sflag:s28] =	ssyncadd.s32 $0xFFFFF060  }
0x2f: {  	_ =	swait.ge [sflag:s29], $0xFA0  }
0x30: {  	[sflag:s29] =	ssyncset.done $0x0  }
0x31: {  	[sflag:s29] =	ssyncadd.s32 $0xFFFFF060  }
0x32: {  	_ =	swait.ge [sflag:s30], $0xFA0  }
0x33: {  	[sflag:s30] =	ssyncset.done $0x0  }
0x34: {  	[sflag:s30] =	ssyncadd.s32 $0xFFFFF060  }
0x35: {  	_ =	swait.ge [sflag:s31], $0xFA0  }
0x36: {  	s2 =	rddreg [dreg:$0x6]  }
0x37: {  	s0 =	rddreg [dreg:$0x5];
	s2 =	sadd.s32 $0x1, s2  }
0x38: {  	p1 =	sne.s32 s2, s0  }
.Ltmp1:
0x39: {  	_ = 	snop;
	(pc) =	sbr.rel @!p1 .LBB2_20-.Ltmp1, $4  }
0x3a: {  	_ = 	snop  }
0x3b: {  	s10 =	simm.s32 $0xFA0  }
0x3c: {  	s11 =	simm.s32 $0x1F40;
	s12 =	simm.s32 $0x2EE0;
	[sflag:s31] =	ssyncset.done $0x0  }
0x3d: {  	s6 =	simm.s32 $0x3E80;
	s5 =	rddreg [dreg:$0x3];
	[sflag:s31] =	ssyncadd.s32 $0xFFFFF060  }
.LBB2_1:
.Ltmp2:
0x3e: {  	(pc) =	sbr.rel @p5 .LBB2_9-.Ltmp2, $2  }
0x3f: {  	_ =	sdelay $0x2  }
0x40: {  	[dreg:$0x6] =	wrdreg s2  }
0x41: {  	s0 =	sld [smem:$0x7FA];
	_ =	sdelay $0x2  }
0x42: {  	p1 =	seq.s32 s0, $0x1  }
.Ltmp3:
0x43: {  	_ = 	snop;
	(pc) =	sbr.rel @p1 .LBB2_6-.Ltmp3, $1  }
0x44: {  	_ =	sdelay $0x3  }
0x45: {  	s0 =	sld [smem:$0x7FB];
	_ =	sdelay $0x2  }
0x46: {  	p1 =	seq.s32 s0, $0x1  }
.Ltmp4:
0x47: {  	_ = 	snop;
	(pc) =	sbr.rel @p1 .LBB2_5-.Ltmp4, $1  }
0x48: {  	_ =	sdelay $0x3  }
0x49: {  	s0 =	sld [smem:$0x7F2];
	_ =	sdelay $0x1  }
0x4a: {  	s15 =	simm.s32 $0x16;
	s2 =	sld [smem:$0x7F4];
	s14 =	simm.s32 $0x12  }
0x4b: {  	s7 =	simm.s32 $0x6;
	[smem:$0x7F1] =	sst s1;
	p1 =	seq.s32 s0, $0x1  }
0x4c: {  	s13 =	simm.s32 $0x1A;
	s1 =	sld [smem:$0x7F3];
	s0 =	simm.s32 @!p1 $0x94ED00  }
0x4d: {  	s5 =	simm.s32 @!p1 $0x1B;
	s8 =	simm.s32 @!p1 $0x31;
	s18 =	simm.s32 @!p1 $0x3D  }
0x4e: {  	s17 =	simm.s32 @!p1 $0x26;
	s18 =	simm.s32 @p1 $0x20;
	s8 =	simm.s32 @p1 $0x39  }
0x4f: {  	s17 =	simm.s32 @p1 $0xA;
	s5 =	simm.s32 @p1 $0x3F;
	s0 =	simm.s32 @p1 $0x4E2000  }
.Ltmp5:
0x50: {  	p1 =	seq.s32 s2, $0x1;
	s2 =	simm.s32 $0x35B600;
	(pc) =	sbr.rel .LBB2_16-.Ltmp5, $4  }
0x51: {  	s15 =	simm.s32 @p1 $0x15;
	s14 =	simm.s32 @p1 $0x2D;
	s7 =	simm.s32 @p1 $0x3C  }
0x52: {  	s13 =	simm.s32 @p1 $0x27;
	s2 =	simm.s32 @p1 $0x334500;
	p1 =	seq.s32 s1, $0x1  }
0x53: {  	s1 =	sld [smem:$0x7F1];
	s15 =	smov.u32 @p1 s18;
	s14 =	smov.u32 @p1 s8  }
0x54: {  	s7 =	smov.u32 @p1 s17;
	s13 =	smov.u32 @p1 s5;
	s2 =	smov.u32 @p1 s0  }
.LBB2_9:
0x55: {  	p1 =	sgt.s32 s5, $0x17  }
.Ltmp6:
0x56: {  	_ = 	snop;
	(pc) =	sbr.rel @p1 .LBB2_13-.Ltmp6, $1  }
0x57: {  	_ =	sdelay $0x3  }
0x58: {  	p1 =	sgt.s32 s5, $0x13  }
.Ltmp7:
0x59: {  	_ = 	snop;
	(pc) =	sbr.rel @p1 .LBB2_12-.Ltmp7, $1  }
0x5a: {  	_ =	sdelay $0x3  }
0x5b: {  	p1 =	sgt.s32 s5, $0x11  }
0x5c: {  	p5 =	seq.s32 @p1 s5, $0x12  }
0x5d: {  	p5 =	por !p5, !p1  }
0x5e: {  	p6 =	seq.s32 @!p1 s5, $0x10;
	s0 =	simm.s32 @!p5 $0xAFC800;
	s8 =	simm.s32 @!p5 $0x4B  }
0x5f: {  	s18 =	simm.s32 @!p5 $0x48;
	s17 =	simm.s32 @!p5 $0x4A;
	s2 =	simm.s32 @!p5 $0x49  }
0x60: {  	s18 =	simm.s32 @p5 $0x4C;
	s2 =	simm.s32 @p5 $0x4D;
	s17 =	simm.s32 @p5 $0x4E  }
0x61: {  	s8 =	simm.s32 @p5 $0x4F;
	s0 =	simm.s32 @p5 $0xB98C00;
	p5 =	por !p6, p1  }
0x62: {  	[dreg:$0x7] =	wrdreg s2;
	s13 =	simm.s32 @!p5 $0x43  }
0x63: {  	s14 =	simm.s32 @!p5 $0x41;
	s15 =	simm.s32 @!p5 $0x40;
	s7 =	simm.s32 @!p5 $0x42  }
.Ltmp8:
0x64: {  	s2 =	simm.s32 @!p5 $0x9C4000;
	s15 =	simm.s32 @p5 $0x44;
	(pc) =	sbr.rel .LBB2_16-.Ltmp8, $4  }
0x65: {  	s14 =	simm.s32 @p5 $0x45;
	s15 =	smov.u32 @p1 s18;
	s18 =	sld [smem:$0x7FD]  }
0x66: {  	s7 =	simm.s32 @p5 $0x46;
	s13 =	simm.s32 @p5 $0x47;
	s5 =	rddreg [dreg:$0x7]  }
0x67: {  	s2 =	simm.s32 @p5 $0xA60400;
	s14 =	smov.u32 @p1 s5;
	s7 =	smov.u32 @p1 s17  }
0x68: {  	s13 =	smov.u32 @p1 s8;
	s2 =	smov.u32 @p1 s0;
	p5 =	seq.s32 s18, $0x1  }
.LBB2_6:
0x69: {  	s0 =	sld [smem:$0x7FC];
	_ =	sdelay $0x2  }
0x6a: {  	p1 =	seq.s32 s0, $0x1  }
.Ltmp9:
0x6b: {  	_ = 	snop;
	(pc) =	sbr.rel @p1 .LBB2_8-.Ltmp9, $1  }
0x6c: {  	_ =	sdelay $0x3  }
0x6d: {  	s0 =	simm.s32 @!p3 $0x8D9A00;
	s8 =	simm.s32 @!p3 $0x3A;
	s5 =	simm.s32 @!p3 $0x36  }
0x6e: {  	s17 =	simm.s32 @!p3 $0x2C;
	s18 =	simm.s32 @!p3 $0x30;
	s13 =	simm.s32 @!p2 $0x25  }
0x6f: {  	s14 =	simm.s32 @!p2 $0x5;
	s15 =	simm.s32 @!p2 $0x32;
	s7 =	simm.s32 @!p2 $0x11  }
0x70: {  	s2 =	simm.s32 @!p2 $0x7A1200;
	s8 =	simm.s32 @p3 $0x2E;
	[smem:$0x7F1] =	sst s1  }
0x71: {  	s17 =	simm.s32 @p3 $0x24;
	s5 =	simm.s32 @p3 $0x1;
	s1 =	sld [smem:$0x7F8]  }
.Ltmp10:
0x72: {  	s18 =	simm.s32 @p3 $0x8;
	s0 =	simm.s32 @p3 $0x704E00;
	(pc) =	sbr.rel .LBB2_16-.Ltmp10, $4  }
0x73: {  	s15 =	simm.s32 @p2 $0x1C;
	s14 =	simm.s32 @p2 $0x2;
	s7 =	simm.s32 @p2 $0x29  }
0x74: {  	s13 =	simm.s32 @p2 $0x17;
	s2 =	simm.s32 @p2 $0x445C00;
	p1 =	seq.s32 s1, $0x1  }
0x75: {  	s1 =	sld [smem:$0x7F1];
	s15 =	smov.u32 @p1 s8;
	s14 =	smov.u32 @p1 s17  }
0x76: {  	s7 =	smov.u32 @p1 s5;
	s13 =	smov.u32 @p1 s18;
	s2 =	smov.u32 @p1 s0  }
.LBB2_13:
0x77: {  	p1 =	sgt.s32 s5, $0x1B  }
.Ltmp11:
0x78: {  	_ = 	snop;
	(pc) =	sbr.rel @p1 .LBB2_15-.Ltmp11, $1  }
0x79: {  	_ =	sdelay $0x3  }
0x7a: {  	p1 =	sgt.s32 s5, $0x19  }
0x7b: {  	p5 =	seq.s32 @p1 s5, $0x1A  }
0x7c: {  	p5 =	por !p5, !p1  }
0x7d: {  	p6 =	seq.s32 @!p1 s5, $0x18;
	s0 =	simm.s32 @!p5 $0xFDE800;
	s8 =	simm.s32 @!p5 $0x6B  }
0x7e: {  	s18 =	simm.s32 @!p5 $0x68;
	s17 =	simm.s32 @!p5 $0x6A;
	s2 =	simm.s32 @!p5 $0x69  }
0x7f: {  	s18 =	simm.s32 @p5 $0x6C;
	s2 =	simm.s32 @p5 $0x6D;
	s17 =	simm.s32 @p5 $0x6E  }
0x80: {  	s8 =	simm.s32 @p5 $0x6F;
	s0 =	simm.s32 @p5 $0x107AC00;
	p5 =	por !p6, p1  }
0x81: {  	[dreg:$0x9] =	wrdreg s2;
	s13 =	simm.s32 @!p5 $0x63  }
0x82: {  	s14 =	simm.s32 @!p5 $0x61;
	s15 =	simm.s32 @!p5 $0x60;
	s7 =	simm.s32 @!p5 $0x62  }
.Ltmp12:
0x83: {  	s2 =	simm.s32 @!p5 $0xEA6000;
	s15 =	simm.s32 @p5 $0x64;
	(pc) =	sbr.rel .LBB2_16-.Ltmp12, $4  }
0x84: {  	s14 =	simm.s32 @p5 $0x65;
	s15 =	smov.u32 @p1 s18;
	s18 =	sld [smem:$0x7FD]  }
0x85: {  	s7 =	simm.s32 @p5 $0x66;
	s13 =	simm.s32 @p5 $0x67;
	s5 =	rddreg [dreg:$0x9]  }
0x86: {  	s2 =	simm.s32 @p5 $0xF42400;
	s14 =	smov.u32 @p1 s5;
	s7 =	smov.u32 @p1 s17  }
0x87: {  	s13 =	smov.u32 @p1 s8;
	s2 =	smov.u32 @p1 s0;
	p5 =	seq.s32 s18, $0x1  }
.LBB2_5:
0x88: {  	s0 =	sld [smem:$0x7F5];
	_ =	sdelay $0x1  }
0x89: {  	s2 =	sld [smem:$0x7F7]  }
0x8a: {  	[smem:$0x7F1] =	sst s1;
	p1 =	seq.s32 s0, $0x1  }
0x8b: {  	s1 =	sld [smem:$0x7F6];
	s0 =	simm.s32 @!p1 $0x864700;
	s8 =	simm.s32 @!p1 $0x37  }
0x8c: {  	s5 =	simm.s32 @!p1 $0x1F;
	s17 =	simm.s32 @!p1 $0x4;
	s18 =	simm.s32 @!p1 $0xE  }
0x8d: {  	s8 =	simm.s32 @p1 $0x0;
	s17 =	simm.s32 @p1 $0x2B;
	s5 =	simm.s32 @p1 $0x22  }
0x8e: {  	s18 =	simm.s32 @p1 $0x3;
	s0 =	simm.s32 @p1 $0x0;
	p1 =	seq.s32 s2, $0x1  }
0x8f: {  	s13 =	simm.s32 @!p1 $0x38;
	s14 =	simm.s32 @!p1 $0x14;
	s15 =	simm.s32 @!p1 $0x23  }
.Ltmp13:
0x90: {  	s7 =	simm.s32 @!p1 $0x18;
	s2 =	simm.s32 @!p1 $0x557300;
	(pc) =	sbr.rel .LBB2_16-.Ltmp13, $4  }
0x91: {  	s15 =	simm.s32 @p1 $0x34;
	s14 =	simm.s32 @p1 $0x28;
	s7 =	simm.s32 @p1 $0x33  }
0x92: {  	s13 =	simm.s32 @p1 $0x2A;
	s2 =	simm.s32 @p1 $0x7EF400;
	p1 =	seq.s32 s1, $0x1  }
0x93: {  	s1 =	sld [smem:$0x7F1];
	s15 =	smov.u32 @p1 s8;
	s14 =	smov.u32 @p1 s17  }
0x94: {  	s7 =	smov.u32 @p1 s5;
	s13 =	smov.u32 @p1 s18;
	s2 =	smov.u32 @p1 s0  }
.LBB2_12:
0x95: {  	p1 =	sgt.s32 s5, $0x15  }
0x96: {  	p5 =	seq.s32 @p1 s5, $0x16  }
0x97: {  	p5 =	por !p5, !p1  }
0x98: {  	p6 =	seq.s32 @!p1 s5, $0x14;
	s0 =	simm.s32 @!p5 $0xD6D800;
	s8 =	simm.s32 @!p5 $0x5B  }
0x99: {  	s18 =	simm.s32 @!p5 $0x58;
	s17 =	simm.s32 @!p5 $0x5A;
	s2 =	simm.s32 @!p5 $0x59  }
0x9a: {  	s18 =	simm.s32 @p5 $0x5C;
	s2 =	simm.s32 @p5 $0x5D;
	s17 =	simm.s32 @p5 $0x5E  }
0x9b: {  	s8 =	simm.s32 @p5 $0x5F;
	s0 =	simm.s32 @p5 $0xE09C00;
	p5 =	por !p6, p1  }
0x9c: {  	[dreg:$0x8] =	wrdreg s2;
	s13 =	simm.s32 @!p5 $0x53  }
0x9d: {  	s14 =	simm.s32 @!p5 $0x51;
	s15 =	simm.s32 @!p5 $0x50;
	s7 =	simm.s32 @!p5 $0x52  }
.Ltmp14:
0x9e: {  	s2 =	simm.s32 @!p5 $0xC35000;
	s15 =	simm.s32 @p5 $0x54;
	(pc) =	sbr.rel .LBB2_16-.Ltmp14, $4  }
0x9f: {  	s14 =	simm.s32 @p5 $0x55;
	s15 =	smov.u32 @p1 s18;
	s18 =	sld [smem:$0x7FD]  }
0xa0: {  	s7 =	simm.s32 @p5 $0x56;
	s13 =	simm.s32 @p5 $0x57;
	s5 =	rddreg [dreg:$0x8]  }
0xa1: {  	s2 =	simm.s32 @p5 $0xCD1400;
	s14 =	smov.u32 @p1 s5;
	s7 =	smov.u32 @p1 s17  }
0xa2: {  	s13 =	smov.u32 @p1 s8;
	s2 =	smov.u32 @p1 s0;
	p5 =	seq.s32 s18, $0x1  }
.LBB2_8:
0xa3: {  	s0 =	simm.s32 @!p4 $0x1FBD00;
	s8 =	simm.s32 @!p4 $0xD;
	s5 =	simm.s32 @!p4 $0x3B  }
0xa4: {  	s17 =	simm.s32 @!p4 $0xB;
	s18 =	simm.s32 @!p4 $0x2F;
	s13 =	simm.s32 @!p0 $0x7  }
0xa5: {  	s14 =	simm.s32 @!p0 $0x21;
	s15 =	simm.s32 @!p0 $0x10;
	s7 =	simm.s32 @!p0 $0x1E  }
0xa6: {  	s2 =	simm.s32 @!p0 $0x271000;
	s8 =	simm.s32 @p4 $0x19;
	[smem:$0x7F1] =	sst s1  }
0xa7: {  	s17 =	simm.s32 @p4 $0x35;
	s5 =	simm.s32 @p4 $0xC;
	s1 =	sld [smem:$0x7F9]  }
.Ltmp15:
0xa8: {  	s18 =	simm.s32 @p4 $0x1D;
	s0 =	simm.s32 @p4 $0x3D0900;
	(pc) =	sbr.rel .LBB2_16-.Ltmp15, $4  }
0xa9: {  	s15 =	simm.s32 @p0 $0x13;
	s14 =	simm.s32 @p0 $0xF;
	s7 =	simm.s32 @p0 $0x9  }
0xaa: {  	s13 =	simm.s32 @p0 $0x3E;
	s2 =	simm.s32 @p0 $0x2E6300;
	p1 =	seq.s32 s1, $0x1  }
0xab: {  	s1 =	sld [smem:$0x7F1];
	s15 =	smov.u32 @p1 s8;
	s14 =	smov.u32 @p1 s17  }
0xac: {  	s7 =	smov.u32 @p1 s5;
	s13 =	smov.u32 @p1 s18;
	s2 =	smov.u32 @p1 s0  }
.LBB2_15:
0xad: {  	p1 =	sgt.s32 s5, $0x1D  }
0xae: {  	p5 =	seq.s32 @p1 s5, $0x1E  }
0xaf: {  	p6 =	seq.s32 @!p1 s5, $0x1C;
	p5 =	por !p5, !p1  }
0xb0: {  	s0 =	simm.s32 @!p5 $0x124F800;
	s8 =	simm.s32 @!p5 $0x7B;
	s18 =	simm.s32 @!p5 $0x78  }
0xb1: {  	s17 =	simm.s32 @!p5 $0x7A;
	s2 =	simm.s32 @!p5 $0x79;
	s18 =	simm.s32 @p5 $0x7C  }
0xb2: {  	s2 =	simm.s32 @p5 $0x7D;
	s17 =	simm.s32 @p5 $0x7E;
	s8 =	simm.s32 @p5 $0x7F  }
0xb3: {  	s0 =	simm.s32 @p5 $0x12EBC00;
	p5 =	por !p6, p1;
	[dreg:$0xa] =	wrdreg s2  }
0xb4: {  	s13 =	simm.s32 @!p5 $0x73;
	s14 =	simm.s32 @!p5 $0x71;
	s15 =	simm.s32 @!p5 $0x70  }
0xb5: {  	s7 =	simm.s32 @!p5 $0x72;
	s2 =	simm.s32 @!p5 $0x1117000;
	s15 =	simm.s32 @p5 $0x74  }
0xb6: {  	s14 =	simm.s32 @p5 $0x75;
	s15 =	smov.u32 @p1 s18;
	s18 =	sld [smem:$0x7FD]  }
0xb7: {  	s7 =	simm.s32 @p5 $0x76;
	s13 =	simm.s32 @p5 $0x77;
	s5 =	rddreg [dreg:$0xa]  }
0xb8: {  	s2 =	simm.s32 @p5 $0x11B3400;
	s14 =	smov.u32 @p1 s5;
	s7 =	smov.u32 @p1 s17  }
0xb9: {  	s13 =	smov.u32 @p1 s8;
	s2 =	smov.u32 @p1 s0;
	p5 =	seq.s32 s18, $0x1  }
.LBB2_16:
0xba: {  	s2 =	sshrl.u32 s2, $0x3  }
0xbb: {  	s5 =	sadd.s32 s1, s2;
	s2 =	simm.s32 $0x0  }
0xbc: {  	[tilespmem:s2], [sflag:$0x1] =	stream.linear.gather [hbm4b:s5+s2], $0xFA0, $0x38;
	[tilespmem:$0x7D00] =	vst v63  }
0xbd: {  	s0 =	sadd.s32 $0x1F4, s5  }
0xbe: {  	[tilespmem:s10], [sflag:$0x2] =	stream.linear.gather [hbm4b:s0+s2], $0xFA0, $0x38;
	[tilespmem:$0x7D00] =	vst v63  }
0xbf: {  	s8 =	sadd.s32 $0x3E8, s5  }
0xc0: {  	[tilespmem:s11], [sflag:$0x3] =	stream.linear.gather [hbm4b:s8+s2], $0xFA0, $0x38;
	[tilespmem:$0x7D00] =	vst v63  }
0xc1: {  	s17 =	sadd.s32 $0x5DC, s5  }
0xc2: {  	[tilespmem:s12], [sflag:$0x4] =	stream.linear.gather [hbm4b:s17+s2], $0xFA0, $0x38;
	[tilespmem:$0x7D00] =	vst v63  }
0xc3: {  	s18 =	sadd.s32 $0x7D0, s5  }
0xc4: {  	[tilespmem:s6], [sflag:$0x5] =	stream.linear.gather [hbm4b:s18+s2], $0xFA0, $0x38;
	[tilespmem:$0x7D00] =	vst v63  }
0xc5: {  	[smem:$0x0] =	sst s15;
	s8 =	simm.s32 $0x4E20;
	s6 =	sadd.s32 $0x9C4, s5  }
0xc6: {  	[tilespmem:s8], [sflag:$0x6] =	stream.linear.gather [hbm4b:s6+s2], $0xFA0, $0x38;
	[tilespmem:$0x7D00] =	vst v63  }
0xc7: {  	[smem:$0x1] =	sst s14;
	s17 =	sadd.s32 $0xBB8, s5  }
0xc8: {  	[tilespmem:s9], [sflag:$0x7] =	stream.linear.gather [hbm4b:s17+s2], $0xFA0, $0x38;
	[tilespmem:$0x7D00] =	vst v63  }
0xc9: {  	s15 =	simm.s32 $0x3E80;
	[smem:$0x2] =	sst s7;
	s18 =	sadd.s32 $0xDAC, s5  }
0xca: {  	[tilespmem:s16], [sflag:$0x8] =	stream.linear.gather [hbm4b:s18+s2], $0xFA0, $0x38;
	[tilespmem:$0x7D00] =	vst v63  }
0xcb: {  	[smem:$0x3] =	sst s13;
	s17 =	simm.s32 $0x5DC0;
	s18 =	simm.s32 $0x6D60  }
.LBB2_17:
0xcc: {  	s7 =	sshll.u32 s2, $0x3  }
0xcd: {  	s0 =	sand.u32 $0xF8, s7  }
0xce: {  	s0 =	smul.u32 $0xCD, s0  }
0xcf: {  	s5 =	sand.u32 $0xFF, s2  }
0xd0: {  	s5 =	smul.u32 $0xCD, s5;
	s0 =	sshrl.u32 s0, $0xD  }
0xd1: {  	s16 =	sor.u32 $0x1, s7;
	s0 =	smul.u32 $0x28, s0  }
0xd2: {  	s6 =	rddreg [dreg:$0x4];
	s9 =	sand.u32 $0xF9, s16;
	s5 =	sshrl.u32 s5, $0xA  }
0xd3: {  	s9 =	smul.u32 $0xCD, s9;
	s5 =	sadd.s32 s5, s6;
	s13 =	ssub.s32 s7, s0  }
0xd4: {  	s0 =	smul.u32 $0x27100, s5;
	s14 =	sand.u32 $0xF8, s13  }
0xd5: {  	s5 =	smul.u32 $0xFA0, s14  }
0xd6: {  	s6 =	sor.u32 $0x2, s7;
	s9 =	sshrl.u32 s9, $0xD;
	s13 =	simm.s32 $0x1  }
0xd7: {  	s9 =	smul.u32 $0x28, s9;
	_ =	swait.ge [sflag:s13], $0xFA0;
	s5 =	sadd.s32 s5, s0  }
0xd8: {  	s14 =	sand.u32 $0xFA, s6;
	[sflag:s13] =	ssyncset.done $0x0;
	s5 =	sshrl.u32 s5, $0x3  }
0xd9: {  	[sflag:s13] =	ssyncadd.s32 $0xFFFFF060;
	s13 =	ssub.s32 s16, s9;
	s5 =	sadd.s32 s3, s5  }
0xda: {  	[hbm4b:s5+s4] =	stream.linear.scatter [tilespmem:s4], [sflag:$0x9], $0xFA0, $0x38;
	[tilespmem:$0x7D00] =	vst v63  }
0xdb: {  	s9 =	smul.u32 $0xCD, s14;
	s5 =	sand.u32 $0xF9, s13  }
0xdc: {  	s5 =	smul.u32 $0xFA0, s5  }
0xdd: {  	s16 =	simm.s32 $0x2  }
0xde: {  	s9 =	sshrl.u32 s9, $0xD;
	_ =	swait.ge [sflag:s16], $0xFA0;
	s5 =	sadd.s32 s0, s5  }
0xdf: {  	s9 =	smul.u32 $0x28, s9;
	[sflag:s16] =	ssyncset.done $0x0;
	s5 =	sshrl.u32 s5, $0x3  }
0xe0: {  	s13 =	sor.u32 $0x3, s7;
	[sflag:s16] =	ssyncadd.s32 $0xFFFFF060;
	s5 =	sadd.s32 s3, s5  }
0xe1: {  	[hbm4b:s5+s4] =	stream.linear.scatter [tilespmem:s10], [sflag:$0xA], $0xFA0, $0x38;
	[tilespmem:$0x7D00] =	vst v63  }
0xe2: {  	s14 =	sand.u32 $0xFB, s13;
	s10 =	ssub.s32 s6, s9  }
0xe3: {  	s9 =	smul.u32 $0xCD, s14;
	s5 =	sand.u32 $0xFA, s10  }
0xe4: {  	s5 =	smul.u32 $0xFA0, s5  }
0xe5: {  	s16 =	simm.s32 $0x3;
	s9 =	sshrl.u32 s9, $0xD  }
0xe6: {  	_ =	swait.ge [sflag:s16], $0xFA0;
	s9 =	smul.u32 $0x28, s9;
	s5 =	sadd.s32 s0, s5  }
0xe7: {  	[sflag:s16] =	ssyncset.done $0x0;
	s5 =	sshrl.u32 s5, $0x3  }
0xe8: {  	[sflag:s16] =	ssyncadd.s32 $0xFFFFF060;
	s9 =	ssub.s32 s13, s9;
	s5 =	sadd.s32 s3, s5  }
0xe9: {  	[hbm4b:s5+s4] =	stream.linear.scatter [tilespmem:s11], [sflag:$0xB], $0xFA0, $0x38;
	[tilespmem:$0x7D00] =	vst v63  }
0xea: {  	s10 =	sor.u32 $0x4, s7;
	s5 =	sand.u32 $0xFB, s9  }
0xeb: {  	s11 =	sand.u32 $0xFC, s10;
	s5 =	smul.u32 $0xFA0, s5  }
0xec: {  	s9 =	smul.u32 $0xCD, s11  }
0xed: {  	s6 =	sor.u32 $0x5, s7;
	_ =	swait.ge [sflag:s19], $0xFA0;
	s5 =	sadd.s32 s0, s5  }
0xee: {  	[sflag:s19] =	ssyncset.done $0x0;
	s9 =	sshrl.u32 s9, $0xD;
	s5 =	sshrl.u32 s5, $0x3  }
0xef: {  	[sflag:s19] =	ssyncadd.s32 $0xFFFFF060;
	s9 =	smul.u32 $0x28, s9;
	s5 =	sadd.s32 s3, s5  }
0xf0: {  	[hbm4b:s5+s4] =	stream.linear.scatter [tilespmem:s12], [sflag:$0xC], $0xFA0, $0x38;
	[tilespmem:$0x7D00] =	vst v63  }
0xf1: {  	s14 =	sand.u32 $0xFD, s6;
	s13 =	ssub.s32 s10, s9  }
0xf2: {  	s9 =	smul.u32 $0xCD, s14;
	s10 =	sor.u32 $0x6, s7;
	s5 =	sand.u32 $0xFC, s13  }
0xf3: {  	s16 =	sand.u32 $0xFE, s10;
	s5 =	smul.u32 $0xFA0, s5  }
0xf4: {  	_ =	swait.ge [sflag:s20], $0xFA0;
	s9 =	sshrl.u32 s9, $0xD;
	s11 =	smul.u32 $0xCD, s16  }
0xf5: {  	[sflag:s20] =	ssyncset.done $0x0;
	s9 =	smul.u32 $0x28, s9;
	s5 =	sadd.s32 s0, s5  }
0xf6: {  	[sflag:s20] =	ssyncadd.s32 $0xFFFFF060;
	s5 =	sshrl.u32 s5, $0x3  }
0xf7: {  	s6 =	ssub.s32 s6, s9;
	s9 =	sshrl.u32 s11, $0xD;
	s5 =	sadd.s32 s3, s5  }
0xf8: {  	[hbm4b:s5+s4] =	stream.linear.scatter [tilespmem:s15], [sflag:$0xD], $0xFA0, $0x38;
	[tilespmem:$0x7D00] =	vst v63  }
0xf9: {  	s5 =	sand.u32 $0xFD, s6;
	s6 =	smul.u32 $0x28, s9;
	s9 =	sshllo.u32 s2, $0x3  }
0xfa: {  	s16 =	simm.s32 $0x6;
	s5 =	smul.u32 $0xFA0, s5;
	s11 =	sand.u32 $0xFF, s9  }
0xfb: {  	_ =	swait.ge [sflag:s16], $0xFA0;
	s6 =	ssub.s32 s10, s6;
	s11 =	smul.u32 $0xCD, s11  }
0xfc: {  	[sflag:s16] =	ssyncset.done $0x0;
	s5 =	sadd.s32 s0, s5;
	s6 =	sand.u32 $0xFE, s6  }
0xfd: {  	s5 =	sshrl.u32 s5, $0x3;
	s6 =	smul.u32 $0xFA0, s6;
	s10 =	sshrl.u32 s11, $0xD  }
0xfe: {  	[sflag:s16] =	ssyncadd.s32 $0xFFFFF060;
	s5 =	sadd.s32 s3, s5;
	s10 =	smul.u32 $0x28, s10  }
0xff: {  	[hbm4b:s5+s4] =	stream.linear.scatter [tilespmem:s8], [sflag:$0xE], $0xFA0, $0x38;
	[tilespmem:$0x7D00] =	vst v63  }
0x100: {  	s6 =	sadd.s32 s0, s6;
	s16 =	ssub.s32 s9, s10;
	_ =	swait.ge [sflag:s21], $0xFA0  }
0x101: {  	s6 =	sshrl.u32 s6, $0x3;
	[sflag:s21] =	ssyncset.done $0x0;
	s5 =	sand.u32 $0xFF, s16  }
0x102: {  	s6 =	sadd.s32 s3, s6;
	[sflag:s21] =	ssyncadd.s32 $0xFFFFF060;
	s5 =	smul.u32 $0xFA0, s5  }
0x103: {  	[hbm4b:s6+s4] =	stream.linear.scatter [tilespmem:s17], [sflag:$0xF], $0xFA0, $0x38;
	[tilespmem:$0x7D00] =	vst v63  }
0x104: {  	_ =	swait.ge [sflag:s22], $0xFA0;
	s0 =	sadd.s32 s0, s5  }
0x105: {  	p1 =	seq.s32 s2, $0x13;
	[sflag:s22] =	ssyncset.done $0x0;
	s0 =	sshrl.u32 s0, $0x3  }
.Ltmp16:
0x106: {  	[sflag:s22] =	ssyncadd.s32 $0xFFFFF060;
	s0 =	sadd.s32 s3, s0;
	(pc) =	sbr.rel @p1 .LBB2_19-.Ltmp16, $4  }
0x107: {  	[hbm4b:s0+s4] =	stream.linear.scatter [tilespmem:s18], [sflag:$0x10], $0xFA0, $0x38;
	[tilespmem:$0x7D00] =	vst v63  }
0x108: {  	s14 =	simm.s32 $0x2EE0;
	s12 =	simm.s32 $0xFA0;
	_ =	swait.ge [sflag:s23], $0xFA0  }
0x109: {  	s13 =	simm.s32 $0x1F40;
	s8 =	simm.s32 $0x4E20;
	[sflag:s23] =	ssyncset.done $0x0  }
0x10a: {  	s9 =	simm.s32 $0x5DC0;
	s16 =	simm.s32 $0x6D60;
	[sflag:s23] =	ssyncadd.s32 $0xFFFFF060  }
0x10b: {  	s0 =	sadd.s32 $0x8, s7  }
0x10c: {  	s5 =	sand.u32 $0xFF, s0  }
0x10d: {  	s5 =	smul.u32 $0xCD, s5;
	_ =	sdelay $0x1  }
0x10e: {  	s5 =	sshrl.u32 s5, $0xD  }
0x10f: {  	s6 =	sld [smem:s5+$0x0];
	s5 =	smul.u32 $0x28, s5  }
0x110: {  	_ = 	snop  }
0x111: {  	s0 =	ssub.s32 s0, s5  }
0x112: {  	s6 =	smul.u32 $0x27100, s6;
	s0 =	sand.u32 $0xFF, s0  }
0x113: {  	s0 =	smul.u32 $0xFA0, s0;
	_ =	sdelay $0x1  }
0x114: {  	s0 =	sadd.s32 s0, s6  }
0x115: {  	s10 =	sadd.s32 $0x9, s7;
	s0 =	sshrl.u32 s0, $0x3  }
0x116: {  	s11 =	sand.u32 $0xFF, s10;
	s0 =	sadd.s32 s1, s0  }
0x117: {  	[tilespmem:s4], [sflag:$0x1] =	stream.linear.gather [hbm4b:s0+s4], $0xFA0, $0x38;
	[tilespmem:$0x7D00] =	vst v63  }
0x118: {  	s5 =	smul.u32 $0xCD, s11;
	_ =	swait.ge [sflag:s24], $0xFA0  }
0x119: {  	[sflag:s24] =	ssyncset.done $0x0  }
0x11a: {  	s5 =	sshrl.u32 s5, $0xD;
	[sflag:s24] =	ssyncadd.s32 $0xFFFFF060  }
0x11b: {  	s17 =	sld [smem:s5+$0x0];
	s5 =	smul.u32 $0x28, s5  }
0x11c: {  	_ = 	snop  }
0x11d: {  	s0 =	ssub.s32 s10, s5  }
0x11e: {  	s18 =	smul.u32 $0x27100, s17;
	s0 =	sand.u32 $0xFF, s0  }
0x11f: {  	s0 =	smul.u32 $0xFA0, s0;
	_ =	sdelay $0x1  }
0x120: {  	s0 =	sadd.s32 s0, s18  }
0x121: {  	s6 =	sadd.s32 $0xA, s7;
	s0 =	sshrl.u32 s0, $0x3  }
0x122: {  	s10 =	sand.u32 $0xFF, s6;
	s0 =	sadd.s32 s1, s0  }
0x123: {  	[tilespmem:s12], [sflag:$0x2] =	stream.linear.gather [hbm4b:s0+s4], $0xFA0, $0x38;
	[tilespmem:$0x7D00] =	vst v63  }
0x124: {  	s5 =	smul.u32 $0xCD, s10;
	_ =	swait.ge [sflag:s25], $0xFA0  }
0x125: {  	[sflag:s25] =	ssyncset.done $0x0  }
0x126: {  	s5 =	sshrl.u32 s5, $0xD;
	[sflag:s25] =	ssyncadd.s32 $0xFFFFF060  }
0x127: {  	s11 =	sld [smem:s5+$0x0];
	s5 =	smul.u32 $0x28, s5  }
0x128: {  	_ = 	snop  }
0x129: {  	s0 =	ssub.s32 s6, s5  }
0x12a: {  	s12 =	smul.u32 $0x27100, s11;
	s0 =	sand.u32 $0xFF, s0  }
0x12b: {  	s0 =	smul.u32 $0xFA0, s0;
	_ =	sdelay $0x1  }
0x12c: {  	s0 =	sadd.s32 s0, s12  }
0x12d: {  	s0 =	sshrl.u32 s0, $0x3  }
0x12e: {  	s0 =	sadd.s32 s1, s0  }
0x12f: {  	[tilespmem:s13], [sflag:$0x3] =	stream.linear.gather [hbm4b:s0+s4], $0xFA0, $0x38;
	[tilespmem:$0x7D00] =	vst v63  }
0x130: {  	s13 =	sadd.s32 $0xB, s7  }
0x131: {  	s17 =	sand.u32 $0xFF, s13  }
0x132: {  	_ =	swait.ge [sflag:s26], $0xFA0;
	s5 =	smul.u32 $0xCD, s17  }
0x133: {  	[sflag:s26] =	ssyncset.done $0x0  }
0x134: {  	[sflag:s26] =	ssyncadd.s32 $0xFFFFF060;
	s5 =	sshrl.u32 s5, $0xD  }
0x135: {  	s18 =	sld [smem:s5+$0x0];
	s5 =	smul.u32 $0x28, s5  }
0x136: {  	_ = 	snop  }
0x137: {  	s0 =	ssub.s32 s13, s5  }
0x138: {  	s6 =	smul.u32 $0x27100, s18;
	s0 =	sand.u32 $0xFF, s0  }
0x139: {  	s0 =	smul.u32 $0xFA0, s0;
	_ =	sdelay $0x1  }
0x13a: {  	s0 =	sadd.s32 s0, s6  }
0x13b: {  	s10 =	sadd.s32 $0xC, s7;
	s0 =	sshrl.u32 s0, $0x3  }
0x13c: {  	s11 =	sand.u32 $0xFF, s10;
	s0 =	sadd.s32 s1, s0  }
0x13d: {  	[tilespmem:s14], [sflag:$0x4] =	stream.linear.gather [hbm4b:s0+s4], $0xFA0, $0x38;
	[tilespmem:$0x7D00] =	vst v63  }
0x13e: {  	s5 =	smul.u32 $0xCD, s11;
	_ =	swait.ge [sflag:s28], $0xFA0  }
0x13f: {  	[sflag:s28] =	ssyncset.done $0x0  }
0x140: {  	s5 =	sshrl.u32 s5, $0xD;
	[sflag:s28] =	ssyncadd.s32 $0xFFFFF060  }
0x141: {  	s12 =	sld [smem:s5+$0x0];
	s5 =	smul.u32 $0x28, s5  }
0x142: {  	_ = 	snop  }
0x143: {  	s0 =	ssub.s32 s10, s5  }
0x144: {  	s13 =	smul.u32 $0x27100, s12;
	s0 =	sand.u32 $0xFF, s0  }
0x145: {  	s0 =	smul.u32 $0xFA0, s0;
	_ =	sdelay $0x1  }
0x146: {  	s0 =	sadd.s32 s0, s13  }
0x147: {  	s14 =	sadd.s32 $0xD, s7;
	s0 =	sshrl.u32 s0, $0x3  }
0x148: {  	s17 =	sand.u32 $0xFF, s14;
	s0 =	sadd.s32 s1, s0  }
0x149: {  	[tilespmem:s15], [sflag:$0x5] =	stream.linear.gather [hbm4b:s0+s4], $0xFA0, $0x38;
	[tilespmem:$0x7D00] =	vst v63  }
0x14a: {  	s5 =	smul.u32 $0xCD, s17;
	_ =	swait.ge [sflag:s29], $0xFA0  }
0x14b: {  	[sflag:s29] =	ssyncset.done $0x0  }
0x14c: {  	s5 =	sshrl.u32 s5, $0xD;
	[sflag:s29] =	ssyncadd.s32 $0xFFFFF060  }
0x14d: {  	s18 =	sld [smem:s5+$0x0];
	s5 =	smul.u32 $0x28, s5  }
0x14e: {  	_ = 	snop  }
0x14f: {  	s0 =	ssub.s32 s14, s5  }
0x150: {  	s6 =	smul.u32 $0x27100, s18;
	s0 =	sand.u32 $0xFF, s0  }
0x151: {  	s0 =	smul.u32 $0xFA0, s0;
	_ =	sdelay $0x1  }
0x152: {  	s0 =	sadd.s32 s0, s6  }
0x153: {  	s0 =	sshrl.u32 s0, $0x3  }
0x154: {  	s0 =	sadd.s32 s1, s0  }
0x155: {  	[tilespmem:s8], [sflag:$0x6] =	stream.linear.gather [hbm4b:s0+s4], $0xFA0, $0x38;
	[tilespmem:$0x7D00] =	vst v63  }
0x156: {  	s8 =	sadd.s32 $0xE, s7  }
0x157: {  	s10 =	sand.u32 $0xFF, s8  }
0x158: {  	_ =	swait.ge [sflag:s30], $0xFA0;
	s5 =	smul.u32 $0xCD, s10  }
0x159: {  	[sflag:s30] =	ssyncset.done $0x0  }
0x15a: {  	[sflag:s30] =	ssyncadd.s32 $0xFFFFF060;
	s5 =	sshrl.u32 s5, $0xD  }
0x15b: {  	s11 =	sld [smem:s5+$0x0];
	s5 =	smul.u32 $0x28, s5  }
0x15c: {  	_ = 	snop  }
0x15d: {  	s0 =	ssub.s32 s8, s5  }
0x15e: {  	s12 =	smul.u32 $0x27100, s11;
	s0 =	sand.u32 $0xFF, s0  }
0x15f: {  	s0 =	smul.u32 $0xFA0, s0;
	_ =	sdelay $0x1  }
0x160: {  	s0 =	sadd.s32 s0, s12  }
0x161: {  	s13 =	sadd.s32 $0xF, s7;
	s0 =	sshrl.u32 s0, $0x3  }
0x162: {  	s14 =	sand.u32 $0xFF, s13;
	s0 =	sadd.s32 s1, s0  }
0x163: {  	[tilespmem:s9], [sflag:$0x7] =	stream.linear.gather [hbm4b:s0+s4], $0xFA0, $0x38;
	[tilespmem:$0x7D00] =	vst v63  }
0x164: {  	s5 =	smul.u32 $0xCD, s14;
	_ =	swait.ge [sflag:s31], $0xFA0  }
0x165: {  	[sflag:s31] =	ssyncset.done $0x0  }
0x166: {  	s5 =	sshrl.u32 s5, $0xD;
	[sflag:s31] =	ssyncadd.s32 $0xFFFFF060  }
0x167: {  	s17 =	sld [smem:s5+$0x0];
	s5 =	smul.u32 $0x28, s5  }
0x168: {  	_ = 	snop  }
0x169: {  	s0 =	ssub.s32 s13, s5  }
0x16a: {  	s18 =	smul.u32 $0x27100, s17;
	s0 =	sand.u32 $0xFF, s0  }
0x16b: {  	s0 =	smul.u32 $0xFA0, s0  }
.Ltmp17:
0x16c: {  	s2 =	sadd.s32 $0x1, s2;
	(pc) =	sbr.rel .LBB2_17-.Ltmp17, $4  }
0x16d: {  	s10 =	simm.s32 $0xFA0;
	s8 =	simm.s32 $0x4E20;
	s0 =	sadd.s32 s0, s18  }
0x16e: {  	s11 =	simm.s32 $0x1F40;
	s12 =	simm.s32 $0x2EE0;
	s0 =	sshrl.u32 s0, $0x3  }
0x16f: {  	s17 =	simm.s32 $0x5DC0;
	s18 =	simm.s32 $0x6D60;
	s0 =	sadd.s32 s1, s0  }
0x170: {  	[tilespmem:s16], [sflag:$0x8] =	stream.linear.gather [hbm4b:s0+s4], $0xFA0, $0x38;
	[tilespmem:$0x7D00] =	vst v63  }
.LBB2_20:
0x171: {  	_ =	sfence.sel $0x180000  }
0x172: {  	[bflag:$0x0] =	sbarrier.arrive $0xFFFF  }
0x173: {  	_ =	strace $0x90000047  }
0x174: {  	s0 =	stileid.u32;
	[bflag:$0x2] =	sbarrier.arrive $0xFFFF  }
0x175: {  	p0 =	sne.s32 s0, $0x0;
	s0 =	rddreg [dreg:$0x2]  }
0x176: {  	s0 =	sadd.s32 @!p0 $0x100000, s0  }
0x177: {  	[sflag:s0] =	ssyncadd.tile.s32 @!p0 $0x1;
	_ =	shalt  }
.Lfunc_end2:
_tile_overlayer_lowered:
.L_overlay_start_2:
0x178: {  	(tag) =	ssettag $0x2  }
0x179: {  	s0 =	rddreg [dreg:$0x0];
	s2 =	stileid.u32  }
0x17a: {  	s1 =	rddreg [dreg:$0x1];
	p0 =	sne.s32 s2, $0x0  }
0x17b: {  	s3 =	rddreg [dreg:$0x2];
	[bflag:$0x3] =	sbarrier.arrive $0xFFFF;
	s2 =	simm.s32 @!p0 $0x1C11  }
0x17c: {  	[timem:s3], [sflag:s2] =	dma.local @!p0 [hbm:s0], s1  }
0x17d: {  	s0 =	simm.s32 @!p0 $0x11  }
0x17e: {  	_ =	swait.ge @!p0 [sflag:s0], s1  }
0x17f: {  	s1 =	ssub.s32 @!p0 $0x0, s1;
	[sflag:s0] =	ssyncset.done @!p0 $0x0  }
0x180: {  	[sflag:s0] =	ssyncadd.s32 @!p0 s1  }
0x181: {  	[bflag:$0x3] =	sbarrier.arrive $0xFFFF  }
0x182: {  	_ =	shalt  }

</sc_bundles>
